<compile_context>
chip_gen: v7x
topology: tpu7x:2x2x1
jax: 0.10.2.dev20260603
libtpu: 0.0.44.dev20260713+nightly
codegen_flags: <defaults>
</compile_context>

<pallas_src>
import functools
import math

import numpy as np
import jax
import jax.numpy as jnp
from jax import lax
from jax.experimental import pallas as pl
from jax.experimental.pallas import tpu as pltpu

H_IMG = 800
W_IMG = 800
H_FEAT = 50
W_FEAT = 50
STRIDE = 16
A = 15
PRE_NMS = 6000
POST_NMS = 1000
NMS_THRESH = 0.7
CLAMP = float(np.float32(math.log(1000.0 / 16.0)))

HW = H_FEAT * W_FEAT
RP = 2560
N = HW * A
NPAD = 38912
NC = 37888
K = PRE_NMS
KP = 6144
TB = 512
OUTP = 1024


def _anchor_maps():
    sizes = [32.0, 64.0, 128.0, 256.0, 512.0]
    ratios = [0.5, 1.0, 2.0]
    base = []
    for s in sizes:
        area = s * s
        for r in ratios:
            w = math.sqrt(area / r)
            h = w * r
            base.append([-w / 2.0, -h / 2.0, w / 2.0, h / 2.0])
    base = np.asarray(base, np.float32)
    sx = np.arange(W_FEAT, dtype=np.float32) * STRIDE
    sy = np.arange(H_FEAT, dtype=np.float32) * STRIDE
    yy, xx = np.meshgrid(sy, sx, indexing='ij')
    shifts = np.stack([xx.ravel(), yy.ravel(), xx.ravel(), yy.ravel()], axis=1)
    anchors = (shifts[:, None, :] + base[None, :, :]).reshape(-1, 4)
    wa = anchors[:, 2] - anchors[:, 0]
    ha = anchors[:, 3] - anchors[:, 1]
    cxa = anchors[:, 0] + np.float32(0.5) * wa
    cya = anchors[:, 1] + np.float32(0.5) * ha
    wa = wa.reshape(HW, A)
    ha = ha.reshape(HW, A)
    cxa = cxa.reshape(HW, A)
    cya = cya.reshape(HW, A)
    cxy = np.zeros((RP, 128), np.float32)
    wah = np.ones((RP, 128), np.float32)
    for a in range(A):
        cxy[:HW, 15 + 4 * a] = cxa[:, a]
        cxy[:HW, 16 + 4 * a] = cya[:, a]
        wah[:HW, 15 + 4 * a] = wa[:, a]
        wah[:HW, 16 + 4 * a] = ha[:, a]
    return cxy, wah


_CXY_NP, _WAH_NP = _anchor_maps()


def _anchors_np():
    sizes = [32.0, 64.0, 128.0, 256.0, 512.0]
    ratios = [0.5, 1.0, 2.0]
    base = []
    for s in sizes:
        area = s * s
        for r in ratios:
            w = math.sqrt(area / r)
            h = w * r
            base.append([-w / 2.0, -h / 2.0, w / 2.0, h / 2.0])
    base = np.asarray(base, np.float32)
    sx = np.arange(W_FEAT, dtype=np.float32) * STRIDE
    sy = np.arange(H_FEAT, dtype=np.float32) * STRIDE
    yy, xx = np.meshgrid(sy, sx, indexing='ij')
    shifts = np.stack([xx.ravel(), yy.ravel(), xx.ravel(), yy.ravel()], axis=1)
    return (shifts[:, None, :] + base[None, :, :]).reshape(-1, 4)


_ANCHORS_NP = _anchors_np()


def _decode_body(p_ref, cxy_ref, wah_ref, boxes_ref):
    p = p_ref[...]
    cxy = cxy_ref[...]
    wah = wah_ref[...]
    d2 = jnp.roll(p, -2, axis=1)
    c = p * wah + cxy
    wh = jnp.exp(jnp.minimum(d2, CLAMP)) * wah
    lo = jnp.clip(c - 0.5 * wh, 0.0, 800.0)
    hi = jnp.clip(c + 0.5 * wh, 0.0, 800.0)
    r15 = jnp.roll(lo, -15, axis=1)
    r13 = jnp.roll(hi, -13, axis=1)
    ci = lax.broadcasted_iota(jnp.int32, (256, 128), 1)
    boxes_ref[...] = jnp.where(ci % 4 < 2, r15, r13)


def _decode(p_pad, cxy, wah):
    return pl.pallas_call(
        _decode_body,
        grid=(RP // 256,),
        in_specs=[
            pl.BlockSpec((256, 128), lambda r: (r, 0)),
            pl.BlockSpec((256, 128), lambda r: (r, 0)),
            pl.BlockSpec((256, 128), lambda r: (r, 0)),
        ],
        out_specs=pl.BlockSpec((256, 128), lambda r: (r, 0)),
        out_shape=jax.ShapeDtypeStruct((RP, 128), jnp.float32),
    )(p_pad, cxy, wah)


def _prefix_lanes_incl(x):
    li = lax.broadcasted_iota(jnp.int32, x.shape, 1)
    for k in (1, 2, 4, 8, 16, 32, 64):
        x = x + jnp.where(li >= k, jnp.roll(x, k, axis=1), 0.0)
    return x


def _prefix_flat_ex(x):
    inc = _prefix_lanes_incl(x)
    tot = inc[:, 127:128]
    ri = lax.broadcasted_iota(jnp.int32, tot.shape, 0)
    rt = tot
    for k in (1, 2, 4, 8, 16, 32, 64, 128, 256):
        rt = rt + jnp.where(ri >= k, jnp.roll(rt, k, axis=0), 0.0)
    return (rt - tot) + (inc - x)


def _select_body(s_ref, dest_ref):
    s = s_ref[...]
    i = lax.bitcast_convert_type(s, jnp.int32)
    kbits = jnp.where(i < 0, i ^ jnp.int32(-1), i | jnp.int32(-2147483648))
    hi = lax.shift_right_logical(kbits, 16).astype(jnp.float32)
    lo = (kbits & jnp.int32(0xFFFF)).astype(jnp.float32)

    kf = jnp.float32(K)
    h = jnp.float32(0.0)
    for bit in range(15, -1, -1):
        hh = h + jnp.float32(float(1 << bit))
        cnt = jnp.sum(jnp.where(hi >= hh, 1.0, 0.0))
        h = jnp.where(cnt >= kf, hh, h)
    cnt_hi_gt = jnp.sum(jnp.where(hi > h, 1.0, 0.0))
    k2 = kf - cnt_hi_gt
    hieq = hi == h
    l = jnp.float32(0.0)
    for bit in range(15, -1, -1):
        ll = l + jnp.float32(float(1 << bit))
        cnt = jnp.sum(jnp.where(hieq & (lo >= ll), 1.0, 0.0))
        l = jnp.where(cnt >= k2, ll, l)

    gt = (hi > h) | (hieq & (lo > l))
    eqm = hieq & (lo == l)
    cnt_gt = jnp.sum(jnp.where(gt, 1.0, 0.0))
    r = kf - cnt_gt
    eq_ex = _prefix_flat_ex(jnp.where(eqm, 1.0, 0.0))
    sel = gt | (eqm & (eq_ex < r))
    self_f = jnp.where(sel, 1.0, 0.0)
    pos_ex = _prefix_flat_ex(self_f)
    dest_ref[...] = jnp.where(sel, pos_ex.astype(jnp.int32), -1)


def _select(scores_pad):
    return pl.pallas_call(
        _select_body,
        out_shape=jax.ShapeDtypeStruct((NPAD // 128, 128), jnp.int32),
    )(scores_pad)


def _compact_body(dest_ref, pay_ref, comp_ref):
    rb = pl.program_id(0)
    slot = rb * TB + lax.broadcasted_iota(jnp.int32, (TB, 1), 0)

    def body(jc, acc):
        d = dest_ref[:, pl.ds(jc * TB, TB)]
        eq = jnp.where(d == slot, 1.0, 0.0)
        p = pay_ref[pl.ds(jc * TB, TB), :]
        return acc + jnp.dot(eq, p, preferred_element_type=jnp.float32,
                             precision=lax.Precision.HIGHEST)

    acc = lax.fori_loop(0, NC // TB, body, jnp.zeros((TB, 8), jnp.float32))
    comp_ref[...] = acc


def _compact(dest_row, payload):
    return pl.pallas_call(
        _compact_body,
        grid=(KP // TB,),
        in_specs=[
            pl.BlockSpec((1, NC), lambda r: (0, 0)),
            pl.BlockSpec((NC, 8), lambda r: (0, 0)),
        ],
        out_specs=pl.BlockSpec((TB, 8), lambda r: (r, 0)),
        out_shape=jax.ShapeDtypeStruct((KP, 8), jnp.float32),
    )(dest_row, payload)


def _rank_body(vc_ref, ic_ref, vr_ref, ir_ref, rank_ref):
    rb = pl.program_id(0)
    vi = vc_ref[...]
    ii = ic_ref[...]

    def body(jc, acc):
        sl = pl.ds(jc * TB, TB)
        vj = vr_ref[:, sl]
        ij = ir_ref[:, sl]
        jv = (jc * TB + lax.broadcasted_iota(jnp.int32, (1, TB), 1)) < K
        better = (vj > vi) | ((vj == vi) & (ij < ii))
        c = jnp.where(better & jv, 1.0, 0.0)
        return acc + jnp.sum(c, axis=1, keepdims=True)

    acc = lax.fori_loop(0, KP // TB, body, jnp.zeros((TB, 1), jnp.float32))
    ig = rb * TB + lax.broadcasted_iota(jnp.int32, (TB, 1), 0)
    rank_ref[...] = jnp.where(ig < K, acc.astype(jnp.int32), ig)


def _rank(val_col, idx_col, val_row, idx_row):
    return pl.pallas_call(
        _rank_body,
        grid=(KP // TB,),
        in_specs=[
            pl.BlockSpec((TB, 1), lambda r: (r, 0)),
            pl.BlockSpec((TB, 1), lambda r: (r, 0)),
            pl.BlockSpec((1, KP), lambda r: (0, 0)),
            pl.BlockSpec((1, KP), lambda r: (0, 0)),
        ],
        out_specs=pl.BlockSpec((TB, 1), lambda r: (r, 0)),
        out_shape=jax.ShapeDtypeStruct((KP, 1), jnp.int32),
    )(val_col, idx_col, val_row, idx_row)


def _permute_body(rank_ref, comp_ref, sorted_ref):
    rb = pl.program_id(0)
    rvec = rb * TB + lax.broadcasted_iota(jnp.int32, (TB, 1), 0)

    def body(jc, acc):
        rj = rank_ref[:, pl.ds(jc * TB, TB)]
        eq = jnp.where(rj == rvec, 1.0, 0.0)
        p = comp_ref[pl.ds(jc * TB, TB), :]
        return acc + jnp.dot(eq, p, preferred_element_type=jnp.float32,
                             precision=lax.Precision.HIGHEST)

    acc = lax.fori_loop(0, KP // TB, body, jnp.zeros((TB, 8), jnp.float32))
    sorted_ref[...] = acc


def _permute(rank_row, comp):
    return pl.pallas_call(
        _permute_body,
        grid=(KP // TB,),
        in_specs=[
            pl.BlockSpec((1, KP), lambda r: (0, 0)),
            pl.BlockSpec((KP, 8), lambda r: (0, 0)),
        ],
        out_specs=pl.BlockSpec((TB, 8), lambda r: (r, 0)),
        out_shape=jax.ShapeDtypeStruct((KP, 8), jnp.float32),
    )(rank_row, comp)


def _nms_body(s_ref, dest_ref, keep_ref, keep_scr):
    b = pl.program_id(0)

    def cross(jc, sup):
        sl = pl.ds(jc * TB, TB)
        sc = s_ref[:, sl].astype(jnp.float32)
        hit = jnp.where((sc > 0.5) & (keep_scr[:, sl] > 0.5), 1.0, 0.0)
        return jnp.maximum(sup, jnp.max(hit, axis=1, keepdims=True))

    sup = lax.fori_loop(0, b, cross, jnp.zeros((TB, 1), jnp.float32))

    sbb = s_ref[:, pl.ds(b * TB, TB)].astype(jnp.float32)
    ri = lax.broadcasted_iota(jnp.int32, (TB, TB), 0)
    ci = lax.broadcasted_iota(jnp.int32, (TB, TB), 1)
    S = jnp.where((sbb > 0.5) & (ci < ri), 1.0, 0.0)
    free = sup < 0.5

    def fp_body(st):
        kcur, _ = st
        knew = jnp.where(free & (jnp.dot(S, kcur,
                                         preferred_element_type=jnp.float32)
                                 < 0.5), 1.0, 0.0)
        return knew, jnp.any(knew != kcur)

    kb, _ = lax.while_loop(lambda st: st[1], fp_body,
                           (jnp.where(free, 1.0, 0.0), jnp.bool_(True)))

    ident = jnp.where(ri == ci, 1.0, 0.0)
    kb_row = jnp.dot(jnp.ones((1, TB), jnp.float32), ident * kb,
                     preferred_element_type=jnp.float32)
    keep_scr[:, pl.ds(b * TB, TB)] = kb_row

    @pl.when(b == KP // TB - 1)
    def _():
        iv = lax.broadcasted_iota(jnp.int32, (1, KP), 1)
        valid = iv < K
        kept = jnp.where(valid & (keep_scr[...] > 0.5), 1.0, 0.0)
        li = iv
        inc = kept
        for k in (1, 2, 4, 8, 16, 32, 64, 128, 256, 512, 1024, 2048, 4096):
            inc = inc + jnp.where(li >= k, jnp.roll(inc, k, axis=1), 0.0)
        pre = inc - kept
        ktot = jnp.sum(kept)
        ivf = iv.astype(jnp.float32)
        pos = jnp.where(kept > 0.5, pre, ktot + (ivf - pre))
        dest_ref[...] = jnp.where(valid, pos.astype(jnp.int32), jnp.int32(1 << 20))
        keep_ref[...] = keep_scr[...]


def _nms(s_mat):
    return pl.pallas_call(
        _nms_body,
        grid=(KP // TB,),
        in_specs=[pl.BlockSpec((TB, KP), lambda b: (b, 0))],
        out_specs=[pl.BlockSpec((1, KP), lambda b: (0, 0)),
                   pl.BlockSpec((1, KP), lambda b: (0, 0))],
        out_shape=[jax.ShapeDtypeStruct((1, KP), jnp.int32),
                   jax.ShapeDtypeStruct((1, KP), jnp.float32)],
        scratch_shapes=[pltpu.VMEM((1, KP), jnp.float32)],
    )(s_mat)


def _place_body(dest_ref, pay_ref, out_ref):
    rb = pl.program_id(0)
    slot = rb * TB + lax.broadcasted_iota(jnp.int32, (TB, 1), 0)

    def body(jc, acc):
        d = dest_ref[:, pl.ds(jc * TB, TB)]
        eq = jnp.where(d == slot, 1.0, 0.0)
        p = pay_ref[pl.ds(jc * TB, TB), :]
        return acc + jnp.dot(eq, p, preferred_element_type=jnp.float32,
                             precision=lax.Precision.HIGHEST)

    acc = lax.fori_loop(0, KP // TB, body, jnp.zeros((TB, 8), jnp.float32))
    out_ref[...] = acc / 800.0


def _place(dest_row, payload):
    return pl.pallas_call(
        _place_body,
        grid=(OUTP // TB,),
        in_specs=[
            pl.BlockSpec((1, KP), lambda r: (0, 0)),
            pl.BlockSpec((KP, 8), lambda r: (0, 0)),
        ],
        out_specs=pl.BlockSpec((TB, 8), lambda r: (r, 0)),
        out_shape=jax.ShapeDtypeStruct((OUTP, 8), jnp.float32),
    )(dest_row, payload)


def _conv(x, w, b, pad):
    y = jax.lax.conv_general_dilated(x, w, (1, 1), pad,
                                     dimension_numbers=('NCHW', 'OIHW', 'NCHW'))
    return y + b.reshape(1, -1, 1, 1)


def kernel(raw_images, featurized_images, conv_w, conv_b, obj_w, obj_b,
           delta_w, delta_b):
    t = jax.nn.relu(_conv(featurized_images, conv_w, conv_b, 'SAME'))
    logits = _conv(t, obj_w, obj_b, 'VALID')
    deltas = _conv(t, delta_w, delta_b, 'VALID')

    lg = jnp.transpose(logits[0], (1, 2, 0)).reshape(HW, A)
    dl = jnp.transpose(deltas[0].reshape(A, 4, H_FEAT, W_FEAT),
                       (2, 3, 0, 1)).reshape(HW, 4 * A)
    scores = lg.reshape(N)

    topv, topi = jax.lax.top_k(scores, PRE_NMS)

    d6g = dl.reshape(N, 4)[topi]
    tv2, ti2 = jax.lax.top_k(d6g.reshape(4 * PRE_NMS), 4 * PRE_NMS)
    d6 = jnp.zeros((4 * PRE_NMS,), jnp.float32).at[ti2].set(tv2).reshape(PRE_NMS, 4)
    anc6 = jnp.asarray(_ANCHORS_NP)[topi]
    wa6 = anc6[:, 2] - anc6[:, 0]
    ha6 = anc6[:, 3] - anc6[:, 1]
    cxa6 = anc6[:, 0] + 0.5 * wa6
    cya6 = anc6[:, 1] + 0.5 * ha6
    dx6, dy6, dw6, dh6 = d6[:, 0], d6[:, 1], d6[:, 2], d6[:, 3]
    dw6 = jnp.minimum(dw6, CLAMP)
    dh6 = jnp.minimum(dh6, CLAMP)
    cx6 = dx6 * wa6 + cxa6
    cy6 = dy6 * ha6 + cya6
    w6 = jnp.exp(dw6) * wa6
    h6 = jnp.exp(dh6) * ha6
    bxs = jnp.stack([cx6 - 0.5 * w6, cy6 - 0.5 * h6,
                     cx6 + 0.5 * w6, cy6 + 0.5 * h6], axis=1)
    bx6 = jnp.stack([
        jnp.clip(bxs[:, 0], 0.0, float(W_IMG)),
        jnp.clip(bxs[:, 1], 0.0, float(H_IMG)),
        jnp.clip(bxs[:, 2], 0.0, float(W_IMG)),
        jnp.clip(bxs[:, 3], 0.0, float(H_IMG)),
    ], axis=1)

    x1, y1, x2, y2 = bx6[:, 0], bx6[:, 1], bx6[:, 2], bx6[:, 3]
    areas = jnp.maximum(x2 - x1, 0.0) * jnp.maximum(y2 - y1, 0.0)
    xx1 = jnp.maximum(x1[:, None], x1[None, :])
    yy1 = jnp.maximum(y1[:, None], y1[None, :])
    xx2 = jnp.minimum(x2[:, None], x2[None, :])
    yy2 = jnp.minimum(y2[:, None], y2[None, :])
    inter = jnp.maximum(xx2 - xx1, 0.0) * jnp.maximum(yy2 - yy1, 0.0)
    iou = inter / (areas[:, None] + areas[None, :] - inter + 1e-9)
    s_small = (iou > NMS_THRESH).astype(jnp.bfloat16)
    s_mat = jnp.zeros((KP, KP), jnp.bfloat16).at[:PRE_NMS, :PRE_NMS].set(s_small)

    dest3, keeprow = _nms(s_mat)
    keep = keeprow[0, :PRE_NMS] > 0.5
    masked = jnp.where(keep, topv, -jnp.inf)
    _, kidx = jax.lax.top_k(masked, POST_NMS)
    final = bx6[kidx]
    scale = jnp.asarray([W_IMG, H_IMG, W_IMG, H_IMG], jnp.float32)
    return (final / scale)[None]

# --- scband reference (transcript-rebuilt; emitter-appended) ---
"""Pipeline reference for scband-faster-rcnnproposal-generator-21354577396281 (READ-ONLY COPY).

The authoritative reference and input builder live on the scoring server;
editing this copy changes nothing except your own understanding.
"""

import jax, jax.numpy as jnp
import numpy as np
import math

H_IMG = 800
W_IMG = 800
H_FEAT = 50
W_FEAT = 50
STRIDE = 16
A = 15
PRE_NMS = 6000
POST_NMS = 1000
NMS_THRESH = 0.7


def make_anchors():
    sizes = [32.0, 64.0, 128.0, 256.0, 512.0]
    ratios = [0.5, 1.0, 2.0]
    base = []
    for s in sizes:
        area = s * s
        for r in ratios:
            w = math.sqrt(area / r)
            h = w * r
            base.append([-w / 2.0, -h / 2.0, w / 2.0, h / 2.0])
    base = np.asarray(base, np.float32)
    sx = np.arange(W_FEAT, dtype=np.float32) * STRIDE
    sy = np.arange(H_FEAT, dtype=np.float32) * STRIDE
    yy, xx = np.meshgrid(sy, sx, indexing='ij')
    shifts = np.stack([xx.ravel(), yy.ravel(), xx.ravel(), yy.ravel()], axis=1)
    anchors = (shifts[:, None, :] + base[None, :, :]).reshape(-1, 4)
    return jnp.asarray(anchors)


def setup_inputs(seed: int = 0) -> dict:
    key = jax.random.key(seed)
    ks = jax.random.split(key, 8)
    B = 1
    return {
        'raw_images': jax.random.normal(ks[0], (B, 3, H_IMG, W_IMG), jnp.float32),
        'featurized_images': jax.random.normal(ks[1], (B, 1024, H_FEAT, W_FEAT), jnp.float32),
        'conv_w': jax.random.normal(ks[2], (1024, 1024, 3, 3), jnp.float32) * 0.01,
        'conv_b': jnp.zeros((1024,), jnp.float32),
        'obj_w': jax.random.normal(ks[3], (A, 1024, 1, 1), jnp.float32) * 0.01,
        'obj_b': jnp.zeros((A,), jnp.float32),
        'delta_w': jax.random.normal(ks[4], (4 * A, 1024, 1, 1), jnp.float32) * 0.01,
        'delta_b': jnp.zeros((4 * A,), jnp.float32),
    }


def _conv(x, w, b, pad):
    y = jax.lax.conv_general_dilated(x, w, (1, 1), pad, dimension_numbers=('NCHW', 'OIHW', 'NCHW'))
    return y + b.reshape(1, -1, 1, 1)


def _decode(deltas, anchors):
    wa = anchors[:, 2] - anchors[:, 0]
    ha = anchors[:, 3] - anchors[:, 1]
    cxa = anchors[:, 0] + 0.5 * wa
    cya = anchors[:, 1] + 0.5 * ha
    dx, dy, dw, dh = deltas[:, 0], deltas[:, 1], deltas[:, 2], deltas[:, 3]
    clamp = math.log(1000.0 / 16.0)
    dw = jnp.minimum(dw, clamp)
    dh = jnp.minimum(dh, clamp)
    cx = dx * wa + cxa
    cy = dy * ha + cya
    w = jnp.exp(dw) * wa
    h = jnp.exp(dh) * ha
    return jnp.stack([cx - 0.5 * w, cy - 0.5 * h, cx + 0.5 * w, cy + 0.5 * h], axis=1)


def _nms_indices(boxes, scores):
    boxes = jax.lax.stop_gradient(boxes)
    scores = jax.lax.stop_gradient(scores)
    N = boxes.shape[0]
    x1, y1, x2, y2 = boxes[:, 0], boxes[:, 1], boxes[:, 2], boxes[:, 3]
    areas = jnp.maximum(x2 - x1, 0.0) * jnp.maximum(y2 - y1, 0.0)
    xx1 = jnp.maximum(x1[:, None], x1[None, :])
    yy1 = jnp.maximum(y1[:, None], y1[None, :])
    xx2 = jnp.minimum(x2[:, None], x2[None, :])
    yy2 = jnp.minimum(y2[:, None], y2[None, :])
    inter = jnp.maximum(xx2 - xx1, 0.0) * jnp.maximum(yy2 - yy1, 0.0)
    iou = inter / (areas[:, None] + areas[None, :] - inter + 1e-9)
    idx_range = jnp.arange(N)

    def body(keep, i):
        sup = jnp.any((iou[i] > NMS_THRESH) & (idx_range < i) & keep)
        keep = keep.at[i].set(jnp.logical_not(sup))
        return keep, None

    keep, _ = jax.lax.scan(body, jnp.zeros((N,), dtype=bool), idx_range)
    masked = jnp.where(keep, scores, -jnp.inf)
    _, kidx = jax.lax.top_k(masked, POST_NMS)
    return kidx


def reference(raw_images, featurized_images, conv_w, conv_b, obj_w, obj_b, delta_w, delta_b):
    # RPN head: 3x3 conv + relu, then 1x1 objectness and 1x1 anchor-delta convs
    anchors = make_anchors()
    t = jax.nn.relu(_conv(featurized_images, conv_w, conv_b, 'SAME'))
    logits = _conv(t, obj_w, obj_b, 'VALID')            # [B, A, H, W]
    deltas = _conv(t, delta_w, delta_b, 'VALID')        # [B, 4A, H, W]
    B = featurized_images.shape[0]
    logits = jnp.transpose(logits, (0, 2, 3, 1)).reshape(B, -1)
    deltas = jnp.transpose(deltas.reshape(B, A, 4, H_FEAT, W_FEAT), (0, 3, 4, 1, 2)).reshape(B, -1, 4)
    scale = jnp.asarray([W_IMG, H_IMG, W_IMG, H_IMG], jnp.float32)
    outs = []
    for b in range(B):
        sc = logits[b]
        topv, topi = jax.lax.top_k(sc, PRE_NMS)
        d = deltas[b][topi]
        anc = anchors[topi]
        boxes = _decode(d, anc)
        boxes = jnp.stack([
            jnp.clip(boxes[:, 0], 0.0, float(W_IMG)),
            jnp.clip(boxes[:, 1], 0.0, float(H_IMG)),
            jnp.clip(boxes[:, 2], 0.0, float(W_IMG)),
            jnp.clip(boxes[:, 3], 0.0, float(H_IMG)),
        ], axis=1)
        kidx = _nms_indices(boxes, topv)
        final = boxes[kidx]
        outs.append(final / scale)
    return jnp.stack(outs, axis=0)

if __name__ == "__main__":
    import jax
    _d = setup_inputs()
    print(jax.jit(kernel)(*tuple(_d.values())))

</pallas_src>

<mosaic_0001>
module attributes {stable_mosaic.version = 14 : i64} {
  func.func @_nms_body(%arg0: i32, %arg1: memref<512x6144xbf16, #tpu.memory_space<vmem>>, %arg2: memref<1x6144xi32, #tpu.memory_space<vmem>>, %arg3: memref<1x6144xf32, #tpu.memory_space<vmem>>, %arg4: memref<1x6144xf32, #tpu.memory_space<vmem>>) attributes {dimension_semantics = [#tpu.dimension_semantics<arbitrary>], iteration_bounds = array<i64: 12>, scalar_prefetch = 0 : i64, scratch_operands = 1 : i64, tpu.core_type = #tpu.core_type<tc>, window_params = [{transform_indices = @transform_0, window_bounds = array<i64: 512, 6144>}, {pipeline_mode = #tpu.pipeline_mode<synchronous>, transform_indices = @transform_1, window_bounds = array<i64: 1, 6144>}, {pipeline_mode = #tpu.pipeline_mode<synchronous>, transform_indices = @transform_2, window_bounds = array<i64: 1, 6144>}]} {
    %broadcast_in_dim3A = arith.constant 0.000000e+00 : f32
    %broadcast_in_dim3A_0 = vector.broadcast %broadcast_in_dim3A : f32 to vector<512x1xf32>
    %while3A = arith.constant 0 : i32
    %while3A_1 = arith.subi %arg0, %while3A : i32
    %while3A_2 = arith.addi %while3A, %while3A_1 : i32
    %while3A_3 = arith.constant 1 : i32
    %while3A_4 = arith.divsi %while3A_1, %while3A_3 : i32
    %while3A_5 = arith.muli %while3A_4, %while3A_3 : i32
    %while3A_6 = arith.addi %while3A, %while3A_5 : i32
    %while3A_7 = arith.constant 1 : i32
    %while3A_8 = scf.for %while3A_48 = %while3A to %while3A_6 step %while3A_7 iter_args(%while3A_49 = %broadcast_in_dim3A_0) -> (vector<512x1xf32>)  : i32 {
      %mul3A_50 = arith.constant 512 : i32
      %mul3A_51 = arith.muli %while3A_48, %mul3A_50 : i32
      %get3A_52 = arith.constant 0 : index
      %get3A_53 = arith.index_cast %mul3A_51 : i32 to index
      %get3A_54 = vector.load %arg1[%get3A_52, %get3A_53] : memref<512x6144xbf16, #tpu.memory_space<vmem>>, vector<512x512xbf16>
      %convert_element_type3A_55 = arith.extf %get3A_54 : vector<512x512xbf16> to vector<512x512xf32>
      %gt3A_56 = arith.constant 5.000000e-01 : f32
      %gt3A_57 = vector.broadcast %gt3A_56 : f32 to vector<512x512xf32>
      %gt3A_58 = arith.cmpf ogt, %convert_element_type3A_55, %gt3A_57 : vector<512x512xf32>
      %get3A_59 = arith.constant 0 : index
      %get3A_60 = arith.index_cast %mul3A_51 : i32 to index
      %get3A_61 = vector.load %arg4[%get3A_59, %get3A_60] : memref<1x6144xf32, #tpu.memory_space<vmem>>, vector<1x512xf32>
      %gt3A_62 = arith.constant 5.000000e-01 : f32
      %gt3A_63 = vector.broadcast %gt3A_62 : f32 to vector<1x512xf32>
      %gt3A_64 = arith.cmpf ogt, %get3A_61, %gt3A_63 : vector<1x512xf32>
      %and3A_65 = vector.broadcast %gt3A_64 : vector<1x512xi1> to vector<512x512xi1>
      %and3A_66 = arith.andi %gt3A_58, %and3A_65 : vector<512x512xi1>
      %jit3A_67 = arith.constant 1.000000e+00 : f32
      %jit3A_68 = arith.constant 0.000000e+00 : f32
      %broadcast_in_dim3A_69 = vector.broadcast %jit3A_67 : f32 to vector<512x512xf32>
      %broadcast_in_dim3A_70 = vector.broadcast %jit3A_68 : f32 to vector<512x512xf32>
      %select_n3A_71 = arith.select %and3A_66, %broadcast_in_dim3A_69, %broadcast_in_dim3A_70 : vector<512x512xi1>, vector<512x512xf32>
      %reduce_max3A = arith.constant dense<0xFF800000> : vector<512xf32>
      %reduce_max3A_72 = vector.multi_reduction <maximumf>, %select_n3A_71, %reduce_max3A [1] : vector<512x512xf32> to vector<512xf32>
      %broadcast_in_dim3A_73 = vector.shape_cast %reduce_max3A_72 : vector<512xf32> to vector<512x1xf32>
      %max3A = arith.maximumf %while3A_49, %broadcast_in_dim3A_73 : vector<512x1xf32>
      scf.yield %max3A : vector<512x1xf32>
    }
    %while3A_9 = arith.constant 1 : i32
    %while3A_10 = scf.for %while3A_48 = %while3A_6 to %while3A_2 step %while3A_9 iter_args(%while3A_49 = %while3A_8) -> (vector<512x1xf32>)  : i32 {
      %mul3A_50 = arith.constant 512 : i32
      %mul3A_51 = arith.muli %while3A_48, %mul3A_50 : i32
      %get3A_52 = arith.constant 0 : index
      %get3A_53 = arith.index_cast %mul3A_51 : i32 to index
      %get3A_54 = vector.load %arg1[%get3A_52, %get3A_53] : memref<512x6144xbf16, #tpu.memory_space<vmem>>, vector<512x512xbf16>
      %convert_element_type3A_55 = arith.extf %get3A_54 : vector<512x512xbf16> to vector<512x512xf32>
      %gt3A_56 = arith.constant 5.000000e-01 : f32
      %gt3A_57 = vector.broadcast %gt3A_56 : f32 to vector<512x512xf32>
      %gt3A_58 = arith.cmpf ogt, %convert_element_type3A_55, %gt3A_57 : vector<512x512xf32>
      %get3A_59 = arith.constant 0 : index
      %get3A_60 = arith.index_cast %mul3A_51 : i32 to index
      %get3A_61 = vector.load %arg4[%get3A_59, %get3A_60] : memref<1x6144xf32, #tpu.memory_space<vmem>>, vector<1x512xf32>
      %gt3A_62 = arith.constant 5.000000e-01 : f32
      %gt3A_63 = vector.broadcast %gt3A_62 : f32 to vector<1x512xf32>
      %gt3A_64 = arith.cmpf ogt, %get3A_61, %gt3A_63 : vector<1x512xf32>
      %and3A_65 = vector.broadcast %gt3A_64 : vector<1x512xi1> to vector<512x512xi1>
      %and3A_66 = arith.andi %gt3A_58, %and3A_65 : vector<512x512xi1>
      %jit3A_67 = arith.constant 1.000000e+00 : f32
      %jit3A_68 = arith.constant 0.000000e+00 : f32
      %broadcast_in_dim3A_69 = vector.broadcast %jit3A_67 : f32 to vector<512x512xf32>
      %broadcast_in_dim3A_70 = vector.broadcast %jit3A_68 : f32 to vector<512x512xf32>
      %select_n3A_71 = arith.select %and3A_66, %broadcast_in_dim3A_69, %broadcast_in_dim3A_70 : vector<512x512xi1>, vector<512x512xf32>
      %reduce_max3A = arith.constant dense<0xFF800000> : vector<512xf32>
      %reduce_max3A_72 = vector.multi_reduction <maximumf>, %select_n3A_71, %reduce_max3A [1] : vector<512x512xf32> to vector<512xf32>
      %broadcast_in_dim3A_73 = vector.shape_cast %reduce_max3A_72 : vector<512xf32> to vector<512x1xf32>
      %max3A = arith.maximumf %while3A_49, %broadcast_in_dim3A_73 : vector<512x1xf32>
      scf.yield %max3A : vector<512x1xf32>
    }
    %mul3A = arith.constant 512 : i32
    %mul3A_11 = arith.muli %arg0, %mul3A : i32
    %get3A = arith.constant 0 : index
    %get3A_12 = arith.index_cast %mul3A_11 : i32 to index
    %get3A_13 = vector.load %arg1[%get3A, %get3A_12] : memref<512x6144xbf16, #tpu.memory_space<vmem>>, vector<512x512xbf16>
    %convert_element_type3A = arith.extf %get3A_13 : vector<512x512xbf16> to vector<512x512xf32>
    %iota3A = tpu.iota {dimensions = array<i32: 0>} : vector<512x512xi32>
    %iota3A_14 = tpu.iota {dimensions = array<i32: 1>} : vector<512x512xi32>
    %gt3A = arith.constant 5.000000e-01 : f32
    %gt3A_15 = vector.broadcast %gt3A : f32 to vector<512x512xf32>
    %gt3A_16 = arith.cmpf ogt, %convert_element_type3A, %gt3A_15 : vector<512x512xf32>
    %lt3A = arith.cmpi slt, %iota3A_14, %iota3A : vector<512x512xi32>
    %and3A = arith.andi %gt3A_16, %lt3A : vector<512x512xi1>
    %jit3A = arith.constant 1.000000e+00 : f32
    %jit3A_17 = arith.constant 0.000000e+00 : f32
    %broadcast_in_dim3A_18 = vector.broadcast %jit3A : f32 to vector<512x512xf32>
    %broadcast_in_dim3A_19 = vector.broadcast %jit3A_17 : f32 to vector<512x512xf32>
    %select_n3A = arith.select %and3A, %broadcast_in_dim3A_18, %broadcast_in_dim3A_19 : vector<512x512xi1>, vector<512x512xf32>
    %lt3A_20 = arith.constant 5.000000e-01 : f32
    %lt3A_21 = vector.broadcast %lt3A_20 : f32 to vector<512x1xf32>
    %lt3A_22 = arith.cmpf olt, %while3A_10, %lt3A_21 : vector<512x1xf32>
    %jit3A_23 = arith.constant 1.000000e+00 : f32
    %jit3A_24 = arith.constant 0.000000e+00 : f32
    %broadcast_in_dim3A_25 = vector.broadcast %jit3A_23 : f32 to vector<512x1xf32>
    %broadcast_in_dim3A_26 = vector.broadcast %jit3A_24 : f32 to vector<512x1xf32>
    %select_n3A_27 = arith.select %lt3A_22, %broadcast_in_dim3A_25, %broadcast_in_dim3A_26 : vector<512x1xi1>, vector<512x1xf32>
    %while3A_28 = arith.constant true
    %while3A_29:2 = scf.while (%while3A_48 = %select_n3A_27, %while3A_49 = %while3A_28) : (vector<512x1xf32>, i1) -> (vector<512x1xf32>, i1) {
      scf.condition(%while3A_49) %while3A_48, %while3A_49 : vector<512x1xf32>, i1
    } do {
    ^bb0(%while3A_48: vector<512x1xf32>, %while3A_49: i1):
      %dot_general3A_50 = arith.constant dense<0.000000e+00> : vector<512x1xf32>
      %dot_general3A_51 = tpu.matmul %select_n3A, %while3A_48, %dot_general3A_50 {dimension_numbers = #tpu.dot_dimension_numbers<[1], [0], [0], [1], [0, 0, 1, 1], [], []>, transpose_lhs_hint = false} : vector<512x512xf32>, vector<512x1xf32>, vector<512x1xf32> -> vector<512x1xf32>
      %lt3A_52 = arith.constant 5.000000e-01 : f32
      %lt3A_53 = vector.broadcast %lt3A_52 : f32 to vector<512x1xf32>
      %lt3A_54 = arith.cmpf olt, %dot_general3A_51, %lt3A_53 : vector<512x1xf32>
      %and3A_55 = arith.andi %lt3A_22, %lt3A_54 : vector<512x1xi1>
      %jit3A_56 = arith.constant 1.000000e+00 : f32
      %jit3A_57 = arith.constant 0.000000e+00 : f32
      %broadcast_in_dim3A_58 = vector.broadcast %jit3A_56 : f32 to vector<512x1xf32>
      %broadcast_in_dim3A_59 = vector.broadcast %jit3A_57 : f32 to vector<512x1xf32>
      %select_n3A_60 = arith.select %and3A_55, %broadcast_in_dim3A_58, %broadcast_in_dim3A_59 : vector<512x1xi1>, vector<512x1xf32>
      %ne3A = arith.cmpf one, %select_n3A_60, %while3A_48 : vector<512x1xf32>
      %reduce_or3A = arith.constant 1.000000e+00 : f32
      %reduce_or3A_61 = arith.constant 0.000000e+00 : f32
      %reduce_or3A_62 = vector.broadcast %reduce_or3A : f32 to vector<512x1xf32>
      %reduce_or3A_63 = vector.broadcast %reduce_or3A_61 : f32 to vector<512x1xf32>
      %reduce_or3A_64 = arith.select %ne3A, %reduce_or3A_62, %reduce_or3A_63 : vector<512x1xi1>, vector<512x1xf32>
      %reduce_or3A_65 = vector.shape_cast %reduce_or3A_64 : vector<512x1xf32> to vector<1x512x1xf32>
      %reduce_or3A_66 = arith.constant dense<0xFF800000> : vector<1xf32>
      %reduce_or3A_67 = vector.multi_reduction <maximumf>, %reduce_or3A_65, %reduce_or3A_66 [1, 2] : vector<1x512x1xf32> to vector<1xf32>
      %reduce_or3A_68 = vector.shape_cast %reduce_or3A_67 : vector<1xf32> to vector<1x1x1xf32>
      %reduce_or3A_69 = vector.extract %reduce_or3A_68[0, 0, 0] : f32 from vector<1x1x1xf32>
      %reduce_or3A_70 = arith.constant 0.000000e+00 : f32
      %reduce_or3A_71 = arith.cmpf ogt, %reduce_or3A_69, %reduce_or3A_70 : f32
      scf.yield %select_n3A_60, %reduce_or3A_71 : vector<512x1xf32>, i1
    }
    %eq3A = arith.cmpi eq, %iota3A, %iota3A_14 : vector<512x512xi32>
    %jit3A_30 = arith.constant 1.000000e+00 : f32
    %jit3A_31 = arith.constant 0.000000e+00 : f32
    %broadcast_in_dim3A_32 = vector.broadcast %jit3A_30 : f32 to vector<512x512xf32>
    %broadcast_in_dim3A_33 = vector.broadcast %jit3A_31 : f32 to vector<512x512xf32>
    %select_n3A_34 = arith.select %eq3A, %broadcast_in_dim3A_32, %broadcast_in_dim3A_33 : vector<512x512xi1>, vector<512x512xf32>
    %broadcast_in_dim3A_35 = arith.constant 1.000000e+00 : f32
    %broadcast_in_dim3A_36 = vector.broadcast %broadcast_in_dim3A_35 : f32 to vector<1x512xf32>
    %mul3A_37 = vector.broadcast %while3A_29#0 : vector<512x1xf32> to vector<512x512xf32>
    %mul3A_38 = arith.mulf %select_n3A_34, %mul3A_37 : vector<512x512xf32>
    %dot_general3A = arith.constant dense<0.000000e+00> : vector<1x512xf32>
    %dot_general3A_39 = tpu.matmul %broadcast_in_dim3A_36, %mul3A_38, %dot_general3A {dimension_numbers = #tpu.dot_dimension_numbers<[1], [0], [0], [1], [0, 0, 1, 1], [], []>, transpose_lhs_hint = false} : vector<1x512xf32>, vector<512x512xf32>, vector<1x512xf32> -> vector<1x512xf32>
    %mul3A_40 = arith.constant 512 : i32
    %mul3A_41 = arith.muli %arg0, %mul3A_40 : i32
    %swap3A = arith.constant 0 : index
    %swap3A_42 = arith.index_cast %mul3A_41 : i32 to index
    %swap3A_43 = vector.load %arg4[%swap3A, %swap3A_42] : memref<1x6144xf32, #tpu.memory_space<vmem>>, vector<1x512xf32>
    tpu.vector_store %arg4[%swap3A, %swap3A_42], %dot_general3A_39 {strides = array<i32>} : memref<1x6144xf32, #tpu.memory_space<vmem>>, vector<1x512xf32>,
    %eq3A_44 = arith.constant 11 : i32
    %eq3A_45 = arith.cmpi eq, %arg0, %eq3A_44 : i32
    %convert_element_type3A_46 = arith.extui %eq3A_45 : i1 to i32
    %cond3A = arith.constant 0 : i32
    %cond3A_47 = arith.cmpi ne, %convert_element_type3A_46, %cond3A : i32
    scf.if %cond3A_47 {
      %iota3A_48 = tpu.iota {dimensions = array<i32: 1>} : vector<1x6144xi32>
      %lt3A_49 = arith.constant 6000 : i32
      %lt3A_50 = vector.broadcast %lt3A_49 : i32 to vector<1x6144xi32>
      %lt3A_51 = arith.cmpi slt, %iota3A_48, %lt3A_50 : vector<1x6144xi32>
      %get3A_52 = arith.constant 0 : index
      %get3A_53 = arith.constant 0 : index
      %get3A_54 = vector.load %arg4[%get3A_52, %get3A_53] : memref<1x6144xf32, #tpu.memory_space<vmem>>, vector<1x6144xf32>
      %gt3A_55 = arith.constant 5.000000e-01 : f32
      %gt3A_56 = vector.broadcast %gt3A_55 : f32 to vector<1x6144xf32>
      %gt3A_57 = arith.cmpf ogt, %get3A_54, %gt3A_56 : vector<1x6144xf32>
      %and3A_58 = arith.andi %lt3A_51, %gt3A_57 : vector<1x6144xi1>
      %jit3A_59 = arith.constant 1.000000e+00 : f32
      %jit3A_60 = arith.constant 0.000000e+00 : f32
      %broadcast_in_dim3A_61 = vector.broadcast %jit3A_59 : f32 to vector<1x6144xf32>
      %broadcast_in_dim3A_62 = vector.broadcast %jit3A_60 : f32 to vector<1x6144xf32>
      %select_n3A_63 = arith.select %and3A_58, %broadcast_in_dim3A_61, %broadcast_in_dim3A_62 : vector<1x6144xi1>, vector<1x6144xf32>
      %ge3A = arith.constant 1 : i32
      %ge3A_64 = vector.broadcast %ge3A : i32 to vector<1x6144xi32>
      %ge3A_65 = arith.cmpi sge, %iota3A_48, %ge3A_64 : vector<1x6144xi32>
      %slice3A = vector.extract_strided_slice %select_n3A_63 {offsets = [0, 6143], sizes = [1, 1], strides = [1, 1]} : vector<1x6144xf32> to vector<1x1xf32>
      %slice3A_66 = vector.extract_strided_slice %select_n3A_63 {offsets = [0, 0], sizes = [1, 6143], strides = [1, 1]} : vector<1x6144xf32> to vector<1x6143xf32>
      %concatenate3A = tpu.concatenate %slice3A, %slice3A_66 in 1 : vector<1x1xf32>, vector<1x6143xf32> -> vector<1x6144xf32>
      %jit3A_67 = arith.constant 0.000000e+00 : f32
      %broadcast_in_dim3A_68 = vector.broadcast %jit3A_67 : f32 to vector<1x6144xf32>
      %select_n3A_69 = arith.select %ge3A_65, %concatenate3A, %broadcast_in_dim3A_68 : vector<1x6144xi1>, vector<1x6144xf32>
      %add3A = arith.addf %select_n3A_63, %select_n3A_69 : vector<1x6144xf32>
      %ge3A_70 = arith.constant 2 : i32
      %ge3A_71 = vector.broadcast %ge3A_70 : i32 to vector<1x6144xi32>
      %ge3A_72 = arith.cmpi sge, %iota3A_48, %ge3A_71 : vector<1x6144xi32>
      %slice3A_73 = vector.extract_strided_slice %add3A {offsets = [0, 6142], sizes = [1, 2], strides = [1, 1]} : vector<1x6144xf32> to vector<1x2xf32>
      %slice3A_74 = vector.extract_strided_slice %add3A {offsets = [0, 0], sizes = [1, 6142], strides = [1, 1]} : vector<1x6144xf32> to vector<1x6142xf32>
      %concatenate3A_75 = tpu.concatenate %slice3A_73, %slice3A_74 in 1 : vector<1x2xf32>, vector<1x6142xf32> -> vector<1x6144xf32>
      %jit3A_76 = arith.constant 0.000000e+00 : f32
      %broadcast_in_dim3A_77 = vector.broadcast %jit3A_76 : f32 to vector<1x6144xf32>
      %select_n3A_78 = arith.select %ge3A_72, %concatenate3A_75, %broadcast_in_dim3A_77 : vector<1x6144xi1>, vector<1x6144xf32>
      %add3A_79 = arith.addf %add3A, %select_n3A_78 : vector<1x6144xf32>
      %ge3A_80 = arith.constant 4 : i32
      %ge3A_81 = vector.broadcast %ge3A_80 : i32 to vector<1x6144xi32>
      %ge3A_82 = arith.cmpi sge, %iota3A_48, %ge3A_81 : vector<1x6144xi32>
      %slice3A_83 = vector.extract_strided_slice %add3A_79 {offsets = [0, 6140], sizes = [1, 4], strides = [1, 1]} : vector<1x6144xf32> to vector<1x4xf32>
      %slice3A_84 = vector.extract_strided_slice %add3A_79 {offsets = [0, 0], sizes = [1, 6140], strides = [1, 1]} : vector<1x6144xf32> to vector<1x6140xf32>
      %concatenate3A_85 = tpu.concatenate %slice3A_83, %slice3A_84 in 1 : vector<1x4xf32>, vector<1x6140xf32> -> vector<1x6144xf32>
      %jit3A_86 = arith.constant 0.000000e+00 : f32
      %broadcast_in_dim3A_87 = vector.broadcast %jit3A_86 : f32 to vector<1x6144xf32>
      %select_n3A_88 = arith.select %ge3A_82, %concatenate3A_85, %broadcast_in_dim3A_87 : vector<1x6144xi1>, vector<1x6144xf32>
      %add3A_89 = arith.addf %add3A_79, %select_n3A_88 : vector<1x6144xf32>
      %ge3A_90 = arith.constant 8 : i32
      %ge3A_91 = vector.broadcast %ge3A_90 : i32 to vector<1x6144xi32>
      %ge3A_92 = arith.cmpi sge, %iota3A_48, %ge3A_91 : vector<1x6144xi32>
      %slice3A_93 = vector.extract_strided_slice %add3A_89 {offsets = [0, 6136], sizes = [1, 8], strides = [1, 1]} : vector<1x6144xf32> to vector<1x8xf32>
      %slice3A_94 = vector.extract_strided_slice %add3A_89 {offsets = [0, 0], sizes = [1, 6136], strides = [1, 1]} : vector<1x6144xf32> to vector<1x6136xf32>
      %concatenate3A_95 = tpu.concatenate %slice3A_93, %slice3A_94 in 1 : vector<1x8xf32>, vector<1x6136xf32> -> vector<1x6144xf32>
      %jit3A_96 = arith.constant 0.000000e+00 : f32
      %broadcast_in_dim3A_97 = vector.broadcast %jit3A_96 : f32 to vector<1x6144xf32>
      %select_n3A_98 = arith.select %ge3A_92, %concatenate3A_95, %broadcast_in_dim3A_97 : vector<1x6144xi1>, vector<1x6144xf32>
      %add3A_99 = arith.addf %add3A_89, %select_n3A_98 : vector<1x6144xf32>
      %ge3A_100 = arith.constant 16 : i32
      %ge3A_101 = vector.broadcast %ge3A_100 : i32 to vector<1x6144xi32>
      %ge3A_102 = arith.cmpi sge, %iota3A_48, %ge3A_101 : vector<1x6144xi32>
      %slice3A_103 = vector.extract_strided_slice %add3A_99 {offsets = [0, 6128], sizes = [1, 16], strides = [1, 1]} : vector<1x6144xf32> to vector<1x16xf32>
      %slice3A_104 = vector.extract_strided_slice %add3A_99 {offsets = [0, 0], sizes = [1, 6128], strides = [1, 1]} : vector<1x6144xf32> to vector<1x6128xf32>
      %concatenate3A_105 = tpu.concatenate %slice3A_103, %slice3A_104 in 1 : vector<1x16xf32>, vector<1x6128xf32> -> vector<1x6144xf32>
      %jit3A_106 = arith.constant 0.000000e+00 : f32
      %broadcast_in_dim3A_107 = vector.broadcast %jit3A_106 : f32 to vector<1x6144xf32>
      %select_n3A_108 = arith.select %ge3A_102, %concatenate3A_105, %broadcast_in_dim3A_107 : vector<1x6144xi1>, vector<1x6144xf32>
      %add3A_109 = arith.addf %add3A_99, %select_n3A_108 : vector<1x6144xf32>
      %ge3A_110 = arith.constant 32 : i32
      %ge3A_111 = vector.broadcast %ge3A_110 : i32 to vector<1x6144xi32>
      %ge3A_112 = arith.cmpi sge, %iota3A_48, %ge3A_111 : vector<1x6144xi32>
      %slice3A_113 = vector.extract_strided_slice %add3A_109 {offsets = [0, 6112], sizes = [1, 32], strides = [1, 1]} : vector<1x6144xf32> to vector<1x32xf32>
      %slice3A_114 = vector.extract_strided_slice %add3A_109 {offsets = [0, 0], sizes = [1, 6112], strides = [1, 1]} : vector<1x6144xf32> to vector<1x6112xf32>
      %concatenate3A_115 = tpu.concatenate %slice3A_113, %slice3A_114 in 1 : vector<1x32xf32>, vector<1x6112xf32> -> vector<1x6144xf32>
      %jit3A_116 = arith.constant 0.000000e+00 : f32
      %broadcast_in_dim3A_117 = vector.broadcast %jit3A_116 : f32 to vector<1x6144xf32>
      %select_n3A_118 = arith.select %ge3A_112, %concatenate3A_115, %broadcast_in_dim3A_117 : vector<1x6144xi1>, vector<1x6144xf32>
      %add3A_119 = arith.addf %add3A_109, %select_n3A_118 : vector<1x6144xf32>
      %ge3A_120 = arith.constant 64 : i32
      %ge3A_121 = vector.broadcast %ge3A_120 : i32 to vector<1x6144xi32>
      %ge3A_122 = arith.cmpi sge, %iota3A_48, %ge3A_121 : vector<1x6144xi32>
      %slice3A_123 = vector.extract_strided_slice %add3A_119 {offsets = [0, 6080], sizes = [1, 64], strides = [1, 1]} : vector<1x6144xf32> to vector<1x64xf32>
      %slice3A_124 = vector.extract_strided_slice %add3A_119 {offsets = [0, 0], sizes = [1, 6080], strides = [1, 1]} : vector<1x6144xf32> to vector<1x6080xf32>
      %concatenate3A_125 = tpu.concatenate %slice3A_123, %slice3A_124 in 1 : vector<1x64xf32>, vector<1x6080xf32> -> vector<1x6144xf32>
      %jit3A_126 = arith.constant 0.000000e+00 : f32
      %broadcast_in_dim3A_127 = vector.broadcast %jit3A_126 : f32 to vector<1x6144xf32>
      %select_n3A_128 = arith.select %ge3A_122, %concatenate3A_125, %broadcast_in_dim3A_127 : vector<1x6144xi1>, vector<1x6144xf32>
      %add3A_129 = arith.addf %add3A_119, %select_n3A_128 : vector<1x6144xf32>
      %ge3A_130 = arith.constant 128 : i32
      %ge3A_131 = vector.broadcast %ge3A_130 : i32 to vector<1x6144xi32>
      %ge3A_132 = arith.cmpi sge, %iota3A_48, %ge3A_131 : vector<1x6144xi32>
      %slice3A_133 = vector.extract_strided_slice %add3A_129 {offsets = [0, 6016], sizes = [1, 128], strides = [1, 1]} : vector<1x6144xf32> to vector<1x128xf32>
      %slice3A_134 = vector.extract_strided_slice %add3A_129 {offsets = [0, 0], sizes = [1, 6016], strides = [1, 1]} : vector<1x6144xf32> to vector<1x6016xf32>
      %concatenate3A_135 = tpu.concatenate %slice3A_133, %slice3A_134 in 1 : vector<1x128xf32>, vector<1x6016xf32> -> vector<1x6144xf32>
      %jit3A_136 = arith.constant 0.000000e+00 : f32
      %broadcast_in_dim3A_137 = vector.broadcast %jit3A_136 : f32 to vector<1x6144xf32>
      %select_n3A_138 = arith.select %ge3A_132, %concatenate3A_135, %broadcast_in_dim3A_137 : vector<1x6144xi1>, vector<1x6144xf32>
      %add3A_139 = arith.addf %add3A_129, %select_n3A_138 : vector<1x6144xf32>
      %ge3A_140 = arith.constant 256 : i32
      %ge3A_141 = vector.broadcast %ge3A_140 : i32 to vector<1x6144xi32>
      %ge3A_142 = arith.cmpi sge, %iota3A_48, %ge3A_141 : vector<1x6144xi32>
      %slice3A_143 = vector.extract_strided_slice %add3A_139 {offsets = [0, 5888], sizes = [1, 256], strides = [1, 1]} : vector<1x6144xf32> to vector<1x256xf32>
      %slice3A_144 = vector.extract_strided_slice %add3A_139 {offsets = [0, 0], sizes = [1, 5888], strides = [1, 1]} : vector<1x6144xf32> to vector<1x5888xf32>
      %concatenate3A_145 = tpu.concatenate %slice3A_143, %slice3A_144 in 1 : vector<1x256xf32>, vector<1x5888xf32> -> vector<1x6144xf32>
      %jit3A_146 = arith.constant 0.000000e+00 : f32
      %broadcast_in_dim3A_147 = vector.broadcast %jit3A_146 : f32 to vector<1x6144xf32>
      %select_n3A_148 = arith.select %ge3A_142, %concatenate3A_145, %broadcast_in_dim3A_147 : vector<1x6144xi1>, vector<1x6144xf32>
      %add3A_149 = arith.addf %add3A_139, %select_n3A_148 : vector<1x6144xf32>
      %ge3A_150 = arith.constant 512 : i32
      %ge3A_151 = vector.broadcast %ge3A_150 : i32 to vector<1x6144xi32>
      %ge3A_152 = arith.cmpi sge, %iota3A_48, %ge3A_151 : vector<1x6144xi32>
      %slice3A_153 = vector.extract_strided_slice %add3A_149 {offsets = [0, 5632], sizes = [1, 512], strides = [1, 1]} : vector<1x6144xf32> to vector<1x512xf32>
      %slice3A_154 = vector.extract_strided_slice %add3A_149 {offsets = [0, 0], sizes = [1, 5632], strides = [1, 1]} : vector<1x6144xf32> to vector<1x5632xf32>
      %concatenate3A_155 = tpu.concatenate %slice3A_153, %slice3A_154 in 1 : vector<1x512xf32>, vector<1x5632xf32> -> vector<1x6144xf32>
      %jit3A_156 = arith.constant 0.000000e+00 : f32
      %broadcast_in_dim3A_157 = vector.broadcast %jit3A_156 : f32 to vector<1x6144xf32>
      %select_n3A_158 = arith.select %ge3A_152, %concatenate3A_155, %broadcast_in_dim3A_157 : vector<1x6144xi1>, vector<1x6144xf32>
      %add3A_159 = arith.addf %add3A_149, %select_n3A_158 : vector<1x6144xf32>
      %ge3A_160 = arith.constant 1024 : i32
      %ge3A_161 = vector.broadcast %ge3A_160 : i32 to vector<1x6144xi32>
      %ge3A_162 = arith.cmpi sge, %iota3A_48, %ge3A_161 : vector<1x6144xi32>
      %slice3A_163 = vector.extract_strided_slice %add3A_159 {offsets = [0, 5120], sizes = [1, 1024], strides = [1, 1]} : vector<1x6144xf32> to vector<1x1024xf32>
      %slice3A_164 = vector.extract_strided_slice %add3A_159 {offsets = [0, 0], sizes = [1, 5120], strides = [1, 1]} : vector<1x6144xf32> to vector<1x5120xf32>
      %concatenate3A_165 = tpu.concatenate %slice3A_163, %slice3A_164 in 1 : vector<1x1024xf32>, vector<1x5120xf32> -> vector<1x6144xf32>
      %jit3A_166 = arith.constant 0.000000e+00 : f32
      %broadcast_in_dim3A_167 = vector.broadcast %jit3A_166 : f32 to vector<1x6144xf32>
      %select_n3A_168 = arith.select %ge3A_162, %concatenate3A_165, %broadcast_in_dim3A_167 : vector<1x6144xi1>, vector<1x6144xf32>
      %add3A_169 = arith.addf %add3A_159, %select_n3A_168 : vector<1x6144xf32>
      %ge3A_170 = arith.constant 2048 : i32
      %ge3A_171 = vector.broadcast %ge3A_170 : i32 to vector<1x6144xi32>
      %ge3A_172 = arith.cmpi sge, %iota3A_48, %ge3A_171 : vector<1x6144xi32>
      %slice3A_173 = vector.extract_strided_slice %add3A_169 {offsets = [0, 4096], sizes = [1, 2048], strides = [1, 1]} : vector<1x6144xf32> to vector<1x2048xf32>
      %slice3A_174 = vector.extract_strided_slice %add3A_169 {offsets = [0, 0], sizes = [1, 4096], strides = [1, 1]} : vector<1x6144xf32> to vector<1x4096xf32>
      %concatenate3A_175 = tpu.concatenate %slice3A_173, %slice3A_174 in 1 : vector<1x2048xf32>, vector<1x4096xf32> -> vector<1x6144xf32>
      %jit3A_176 = arith.constant 0.000000e+00 : f32
      %broadcast_in_dim3A_177 = vector.broadcast %jit3A_176 : f32 to vector<1x6144xf32>
      %select_n3A_178 = arith.select %ge3A_172, %concatenate3A_175, %broadcast_in_dim3A_177 : vector<1x6144xi1>, vector<1x6144xf32>
      %add3A_179 = arith.addf %add3A_169, %select_n3A_178 : vector<1x6144xf32>
      %ge3A_180 = arith.constant 4096 : i32
      %ge3A_181 = vector.broadcast %ge3A_180 : i32 to vector<1x6144xi32>
      %ge3A_182 = arith.cmpi sge, %iota3A_48, %ge3A_181 : vector<1x6144xi32>
      %slice3A_183 = vector.extract_strided_slice %add3A_179 {offsets = [0, 2048], sizes = [1, 4096], strides = [1, 1]} : vector<1x6144xf32> to vector<1x4096xf32>
      %slice3A_184 = vector.extract_strided_slice %add3A_179 {offsets = [0, 0], sizes = [1, 2048], strides = [1, 1]} : vector<1x6144xf32> to vector<1x2048xf32>
      %concatenate3A_185 = tpu.concatenate %slice3A_183, %slice3A_184 in 1 : vector<1x4096xf32>, vector<1x2048xf32> -> vector<1x6144xf32>
      %jit3A_186 = arith.constant 0.000000e+00 : f32
      %broadcast_in_dim3A_187 = vector.broadcast %jit3A_186 : f32 to vector<1x6144xf32>
      %select_n3A_188 = arith.select %ge3A_182, %concatenate3A_185, %broadcast_in_dim3A_187 : vector<1x6144xi1>, vector<1x6144xf32>
      %add3A_189 = arith.addf %add3A_179, %select_n3A_188 : vector<1x6144xf32>
      %sub3A = arith.subf %add3A_189, %select_n3A_63 : vector<1x6144xf32>
      %reduce_sum3A = vector.shape_cast %select_n3A_63 : vector<1x6144xf32> to vector<1x1x6144xf32>
      %reduce_sum3A_190 = arith.constant dense<0.000000e+00> : vector<1xf32>
      %reduce_sum3A_191 = vector.multi_reduction <add>, %reduce_sum3A, %reduce_sum3A_190 [1, 2] : vector<1x1x6144xf32> to vector<1xf32>
      %reduce_sum3A_192 = vector.shape_cast %reduce_sum3A_191 : vector<1xf32> to vector<1x1x1xf32>
      %reduce_sum3A_193 = vector.extract %reduce_sum3A_192[0, 0, 0] : f32 from vector<1x1x1xf32>
      %convert_element_type3A_194 = arith.sitofp %iota3A_48 : vector<1x6144xi32> to vector<1x6144xf32>
      %gt3A_195 = arith.constant 5.000000e-01 : f32
      %gt3A_196 = vector.broadcast %gt3A_195 : f32 to vector<1x6144xf32>
      %gt3A_197 = arith.cmpf ogt, %select_n3A_63, %gt3A_196 : vector<1x6144xf32>
      %sub3A_198 = arith.subf %convert_element_type3A_194, %sub3A : vector<1x6144xf32>
      %add3A_199 = vector.broadcast %reduce_sum3A_193 : f32 to vector<1x6144xf32>
      %add3A_200 = arith.addf %add3A_199, %sub3A_198 : vector<1x6144xf32>
      %select_n3A_201 = arith.select %gt3A_197, %sub3A, %add3A_200 : vector<1x6144xi1>, vector<1x6144xf32>
      %convert_element_type3A_202 = arith.fptosi %select_n3A_201 : vector<1x6144xf32> to vector<1x6144xi32>
      %jit3A_203 = arith.constant 1048576 : i32
      %broadcast_in_dim3A_204 = vector.broadcast %jit3A_203 : i32 to vector<1x6144xi32>
      %select_n3A_205 = arith.select %lt3A_51, %convert_element_type3A_202, %broadcast_in_dim3A_204 : vector<1x6144xi1>, vector<1x6144xi32>
      %swap3A_206 = arith.constant 0 : index
      %swap3A_207 = arith.constant 0 : index
      %swap3A_208 = vector.load %arg2[%swap3A_206, %swap3A_207] : memref<1x6144xi32, #tpu.memory_space<vmem>>, vector<1x6144xi32>
      tpu.vector_store %arg2[%swap3A_206, %swap3A_207], %select_n3A_205 {strides = array<i32>} : memref<1x6144xi32, #tpu.memory_space<vmem>>, vector<1x6144xi32>,
      %get3A_209 = arith.constant 0 : index
      %get3A_210 = arith.constant 0 : index
      %get3A_211 = vector.load %arg4[%get3A_209, %get3A_210] : memref<1x6144xf32, #tpu.memory_space<vmem>>, vector<1x6144xf32>
      %swap3A_212 = arith.constant 0 : index
      %swap3A_213 = arith.constant 0 : index
      %swap3A_214 = vector.load %arg3[%swap3A_212, %swap3A_213] : memref<1x6144xf32, #tpu.memory_space<vmem>>, vector<1x6144xf32>
      tpu.vector_store %arg3[%swap3A_212, %swap3A_213], %get3A_211 {strides = array<i32>} : memref<1x6144xf32, #tpu.memory_space<vmem>>, vector<1x6144xf32>,
    } else {
    }
    return
  }
  func.func @transform_0(%arg0: i32) -> (i32, i32) {
    %c0_i32 = arith.constant 0 : i32
    %c0_i32_0 = arith.constant 0 : i32
    return %arg0, %c0_i32 : i32, i32
  }
  func.func @transform_1(%arg0: i32) -> (i32, i32) {
    %c0_i32 = arith.constant 0 : i32
    %c0_i32_0 = arith.constant 0 : i32
    %c0_i32_1 = arith.constant 0 : i32
    return %c0_i32, %c0_i32_0 : i32, i32
  }
  func.func @transform_2(%arg0: i32) -> (i32, i32) {
    %c0_i32 = arith.constant 0 : i32
    %c0_i32_0 = arith.constant 0 : i32
    %c0_i32_1 = arith.constant 0 : i32
    return %c0_i32, %c0_i32_0 : i32, i32
  }
}

</mosaic_0001>

<sc_bundles>
// kernel: gather_offload_async_start.1
scs
__scs_entry_jumppad:
0x0: {  	(pc) =	sbr.rel $0x88, $3  }
0x1: {  	(tag) =	ssettag $0x0;
	lr =	simm.s32 $0x1  }
0x2: {  	[smem:$0x3F9A] =	sst lr;
	_ =	strace $0xD0000000  }
0x3: {  	_ = 	snop  }
0x4: {  	_ = 	snop  }
0x5: {  	_ = 	snop  }
0x6: {  	_ = 	snop  }
0x7: {  	_ = 	snop  }
__scs_overlays_trampoline_lowered:
0x8: {  	[smem:$0x3FA9] =	sst s0  }
0x9: {  	[smem:$0x3FAA] =	sst s1  }
0xa: {  	[smem:$0x3FAB] =	sst s2  }
0xb: {  	[smem:$0x3FAC] =	sst s3  }
0xc: {  	[smem:$0x3FAD] =	sst s4  }
0xd: {  	[smem:$0x3FAE] =	sst s5  }
0xe: {  	[smem:$0x3FAF] =	sst s6  }
0xf: {  	[smem:$0x3FB0] =	sst s7  }
0x10: {  	[smem:$0x3FB1] =	sst s8  }
0x11: {  	[smem:$0x3FB2] =	sst s9;
	s0 =	simm.s32 @!p0 $0x0  }
0x12: {  	s1 =	sld [smem:$0x3F98];
	s0 =	simm.s32 @p0 $0x1  }
0x13: {  	[smem:$0x3FB3] =	sst s0;
	s0 =	simm.s32 @!p1 $0x0  }
0x14: {  	s2 =	sld [smem:$0x3F97];
	s0 =	simm.s32 @p1 $0x1  }
0x15: {  	[smem:$0x3FB4] =	sst s0;
	s0 =	simm.s32 @!p2 $0x0  }
0x16: {  	s3 =	sld [smem:$0x3FDB];
	s0 =	simm.s32 @p2 $0x1  }
0x17: {  	s4 =	simm.s32 $0x1BF5;
	[smem:$0x3FB6] =	sst s0  }
0x18: {  	s0 =	sld [smem:$0x3F99];
	_ =	swait.ge [sflag:s4], $0x0  }
0x19: {  	s7 =	sld [smem:$0x3F9A]  }
0x1a: {  	s8 =	sadd.s32 $0xFFFFE003, lr  }
0x1b: {  	s9 =	sadd.s32 $0xFFFFFEF7, lr;
	s5 =	simm.s32 $0xFFFFFFFF;
	p2 =	slt.u32 s8, $0xFFFFF086  }
0x1c: {  	p1 =	slt.u32 s9, $0xF7A;
	s5 =	simm.s32 @!p2 $0x0  }
0x1d: {  	s5 =	simm.s32 @p1 $0x1;
	p0 =	seq.s32 s7, s2  }
0x1e: {  	s7 =	smul.u32 @!p0 $0xF7A, s2;
	p2 =	seq.s32 @!p0 s5, $0x0  }
0x1f: {  	s9 =	smul.u32 $0xF7A, s1;
	s8 =	simm.s32 @!p0 $0x1BF5;
	p2 =	por !p2, p0  }
0x20: {  	[sflag:s8] =	ssyncset.s32 @!p0 $0xFFFFF086;
	s6 =	sadd.s32 @!p0 s3, s7;
	s7 =	simm.s32 @!p0 $0x108  }
0x21: {  	s3 =	sadd.s32 s3, s9;
	s6 =	sadd.s32 @!p0 $0x88, s6;
	s7 =	simm.s32 @p2 $0x1082  }
0x22: {  	[simem:s7], [sflag:s8] =	dma.local @!p0 [hbm:s6], $0xF7A  }
0x23: {  	s9 =	sor.u32 $0xD0000000, s2;
	s6 =	simm.s32 $0x108;
	_ =	swait.ge @!p0 [sflag:s8], $0x0  }
0x24: {  	s3 =	sadd.s32 $0x88, s3;
	s6 =	simm.s32 @!p1 $0x1082;
	[sflag:s4] =	ssyncset.s32 $0xFFFFF086  }
0x25: {  	[simem:s6], [sflag:s4] =	dma.local [hbm:s3], $0xF7A  }
0x26: {  	[smem:$0x3F9A] =	sst s1;
	(tag) =	ssettag s2;
	_ =	strace s9  }
0x27: {  	s1 =	sld [smem:$0x3FAA]  }
0x28: {  	s2 =	sld [smem:$0x3FAB]  }
0x29: {  	s4 =	sld [smem:$0x3FAD]  }
0x2a: {  	p0 =	seq.s32 s5, $0x0;
	s5 =	sld [smem:$0x3FAE]  }
0x2b: {  	s6 =	sld [smem:$0x3FAF]  }
0x2c: {  	s7 =	sld [smem:$0x3FB0]  }
0x2d: {  	s3 =	simm.s32 $0x108;
	s8 =	sld [smem:$0x3FB1]  }
0x2e: {  	s3 =	simm.s32 @!p0 $0x1082;
	s9 =	sld [smem:$0x3FB2]  }
0x2f: {  	lr =	sadd.s32 s0, s3;
	s0 =	sld [smem:$0x3FA9]  }
0x30: {  	s3 =	sld [smem:$0x3FAC]  }
0x31: {  	[smem:$0x3FB5] =	sst s10  }
0x32: {  	s10 =	sld [smem:$0x3FB3];
	_ =	sdelay $0x3  }
0x33: {  	p0 =	seq.s32 s10, $0x1;
	s10 =	sld [smem:$0x3FB5];
	_ =	sdelay $0x3  }
0x34: {  	[smem:$0x3FB5] =	sst s10  }
0x35: {  	s10 =	sld [smem:$0x3FB4];
	_ =	sdelay $0x3  }
0x36: {  	p1 =	seq.s32 s10, $0x1;
	s10 =	sld [smem:$0x3FB5];
	_ =	sdelay $0x3  }
0x37: {  	[smem:$0x3FB5] =	sst s10  }
0x38: {  	s10 =	sld [smem:$0x3FB6]  }
0x39: {  	_ = 	snop;
	(pc) =	sbr.ind lr, $3  }
0x3a: {  	_ = 	snop  }
0x3b: {  	_ = 	snop  }
0x3c: {  	p2 =	seq.s32 s10, $0x1;
	s10 =	sld [smem:$0x3FB5]  }
0x3d: {  	_ =	shalt  }
0x3e: {  	_ =	shalt  }
0x3f: {  	_ =	shalt  }
0x40: {  	_ =	shalt  }
0x41: {  	_ =	shalt  }
0x42: {  	_ =	shalt  }
0x43: {  	_ =	shalt  }
0x44: {  	_ =	shalt  }
0x45: {  	_ =	shalt  }
0x46: {  	_ =	shalt  }
0x47: {  	_ =	shalt  }
0x48: {  	_ =	shalt  }
0x49: {  	_ =	shalt  }
0x4a: {  	_ =	shalt  }
0x4b: {  	_ =	shalt  }
0x4c: {  	_ =	shalt  }
0x4d: {  	_ =	shalt  }
0x4e: {  	_ =	shalt  }
0x4f: {  	_ =	shalt  }
0x50: {  	_ =	shalt  }
0x51: {  	_ =	shalt  }
0x52: {  	_ =	shalt  }
0x53: {  	_ =	shalt  }
0x54: {  	_ =	shalt  }
0x55: {  	_ =	shalt  }
0x56: {  	_ =	shalt  }
0x57: {  	_ =	shalt  }
0x58: {  	_ =	shalt  }
0x59: {  	_ =	shalt  }
0x5a: {  	_ =	shalt  }
0x5b: {  	_ =	shalt  }
0x5c: {  	_ =	shalt  }
0x5d: {  	_ =	shalt  }
0x5e: {  	_ =	shalt  }
0x5f: {  	_ =	shalt  }
0x60: {  	_ =	shalt  }
0x61: {  	_ =	shalt  }
0x62: {  	_ =	shalt  }
0x63: {  	_ =	shalt  }
0x64: {  	_ =	shalt  }
0x65: {  	_ =	shalt  }
0x66: {  	_ =	shalt  }
0x67: {  	_ =	shalt  }
0x68: {  	_ =	shalt  }
0x69: {  	_ =	shalt  }
0x6a: {  	_ =	shalt  }
0x6b: {  	_ =	shalt  }
0x6c: {  	_ =	shalt  }
0x6d: {  	_ =	shalt  }
0x6e: {  	_ =	shalt  }
0x6f: {  	_ =	shalt  }
0x70: {  	_ =	shalt  }
0x71: {  	_ =	shalt  }
0x72: {  	_ =	shalt  }
0x73: {  	_ =	shalt  }
0x74: {  	_ =	shalt  }
0x75: {  	_ =	shalt  }
0x76: {  	_ =	shalt  }
0x77: {  	_ =	shalt  }
0x78: {  	_ =	shalt  }
0x79: {  	_ =	shalt  }
0x7a: {  	_ =	shalt  }
0x7b: {  	_ =	shalt  }
0x7c: {  	_ =	shalt  }
0x7d: {  	_ =	shalt  }
0x7e: {  	_ =	shalt  }
0x7f: {  	_ =	shalt  }
0x80: {  	_ =	shalt  }
0x81: {  	_ =	shalt  }
0x82: {  	_ =	shalt  }
0x83: {  	_ =	shalt  }
0x84: {  	_ =	shalt  }
0x85: {  	_ =	shalt  }
0x86: {  	_ =	shalt  }
0x87: {  	_ =	shalt  }
.Lfunc_end0:
.L_simem_size_0:
called_computation.1_lowered:
.L_overlay_start_0:
0x88: {  	s0 =	sld [smem:$0x3FD9]  }
0x89: {  	s1 =	sld [smem:$0x3FFE];
	_ =	sdelay $0x3  }
0x8a: {  	s0 =	sadd.s32 s1, s0  }
0x8b: {  	[smem:$0x3FC1] =	sst s0  }
0x8c: {  	_ = 	snop  }
0x8d: {  	(tm) =	ssettm $0x1  }
0x8e: {  	s15 =	sld [smem:$0x3FFB];
	_ =	sdelay $0x3  }
0x8f: {  	_ =	strace s15  }
0x90: {  	s0 =	sld [smem:$0x3FFC];
	_ =	sdelay $0x3  }
0x91: {  	_ =	strace s0  }
0x92: {  	s0 =	sld [smem:$0x3FFD];
	_ =	sdelay $0x3  }
0x93: {  	_ =	strace s0  }
0x94: {  	_ =	strace $0x8FFFFFFF  }
0x95: {  	s16 =	sld [smem:$0x3FDB];
	_ =	sdelay $0x1  }
0x96: {  	s17 =	simm.s32 $_scs_section_size  }
0x97: {  	s2 =	simm.s32 $_size__tile_overlayer_lowered;
	s3 =	simm.s32 $_tile_overlayer_lowered  }
0x98: {  	s20 =	simm.s32 $0x1BFF;
	s19 =	sshll.u32 s3, $0x1;
	s0 =	sadd.s32 s17, s16  }
0x99: {  	s4 =	simm.s32 $0x0;
	s18 =	sshll.u32 s2, $0x1;
	s2 =	sadd.s32 s19, s0  }
0x9a: {  	[timem:s4], [sflag:s20] =	dma.local [hbm:s2], s18  }
0x9b: {  	_ =	swait.ge [sflag:s20], s18  }
0x9c: {  	s1 =	ssub.s32 $0x0, s18;
	[sflag:s20] =	ssyncset.done $0x0  }
0x9d: {  	[sflag:s20] =	ssyncadd.s32 s1;
	_ =	sdelay $0x1  }
0x9e: {  	s21 =	simm.s32 $0x1B8B  }
0x9f: {  	_ =	swait.ge [sflag:s21], $0x1  }
0xa0: {  	[sflag:s21] =	ssyncset.done $0x0  }
0xa1: {  	s23 =	simm.s32 $0x1B8E;
	s22 =	sld [smem:$0x3FFE];
	[sflag:s21] =	ssyncadd.s32 $0xFFFFFFFF  }
0xa2: {  	s24 =	simm.s32 $execute0_lowered;
	[smem:$0x3FD2] =	sst s23  }
0xa3: {  	s2 =	sshll.u32 s24, $0x1;
	_ =	strace $0x80000049;
	[dreg:$0x1] =	wrdreg $0xFFFFFFFF  }
0xa4: {  	s25 =	simm.s32 $_size_execute0_lowered;
	s0 =	sadd.s32 s0, s2;
	[dreg:$0x0] =	wrdreg $0x0  }
0xa5: {  	s2 =	sshll.u32 s25, $0x1;
	[dreg:$0x2] =	wrdreg s0  }
0xa6: {  	[dreg:$0x3] =	wrdreg s2  }
0xa7: {  	[dreg:$0x4] =	wrdreg $0xC0  }
0xa8: {  	_ =	task [dreg:s4], $0x5FFFF  }
0xa9: {  	[dreg:$0x1] =	wrdreg $0xFFFFFFFF  }
0xaa: {  	[dreg:$0x0] =	wrdreg $0x60  }
0xab: {  	[dreg:$0x2] =	wrdreg s22  }
0xac: {  	[dreg:$0x3] =	wrdreg $0x9  }
0xad: {  	_ =	task.clear_ibuf [dreg:s4], $0x4FFFF;
	_ =	strace $0x90000049  }
0xae: {  	s26 =	simm.s32 $0x9;
	_ =	strace $0x8000004B  }
0xaf: {  	_ =	swait.ge [sflag:s26], $0x1  }
0xb0: {  	[sflag:s26] =	ssyncadd.s32 $0xFFFFFFFF  }
0xb1: {  	_ =	strace $0x9000004B  }
0xb2: {  	_ =	sfence  }
0xb3: {  	s28 =	sld [smem:$0x0];
	_ =	sdelay $0x1  }
0xb4: {  	s29 =	srdreg.scid  }
0xb5: {  	s30 =	sshll.u32 s29, $0xD;
	s31 =	sshrl.u32 s29, $0x2  }
0xb6: {  	s1 =	sand.u32 $0x1, s29;
	s2 =	sand.u32 $0x4000, s30;
	s0 =	sadd.s32 s31, s28  }
0xb7: {  	s1 =	sor.u32 s2, s1;
	s0 =	sshll.u32 s0, $0x11  }
0xb8: {  	s0 =	sor.u32 s0, s1  }
0xb9: {  	s0 =	sadd.s32 $0x8F2B, s0  }
0xba: {  	[sflag:s0] =	ssyncadd.remote.s32 $0x1  }
0xbb: {  	_ =	sfence.sel $0xFFFF  }
0xbc: {  	[dreg:$0x0] =	wrdreg $0xFFFFFFFF;
	(pc) =	sbr.abs _section_cstart, $3  }
0xbd: {  	[dreg:$0x1] =	wrdreg $0xFFFFFFFF  }
0xbe: {  	_ =	task.clear_ibuf [dreg:s4], $0x2FFFF;
	_ =	strace $0x9FFFFFFF  }
0xbf: {  	(tm) =	ssettm $0x7FFFFFFF  }
tec
execute0_lowered:
.L_overlay_start_1:
0x0: {  	(tag) =	ssettag $0x1  }
0x1: {  	s0 =	stileid.u32  }
0x2: {  	s1 =	smin.u32 s0, $0xE  }
0x3: {  	s1 =	sadd.s32 s0, s1  }
0x4: {  	s2 =	simm.s32 $0x190;
	p0 =	slt.u32 s0, $0xE;
	s1 =	smul.u32 $0xC8, s1  }
0x5: {  	s2 =	simm.s32 @!p0 $0xC8  }
0x6: {  	s2 =	sadd.s32 s2, s1  }
0x7: {  	s3 =	smin.u32 s2, $0x1770  }
0x8: {  	s7 =	ssub.s32 s3, s1  }
0x9: {  	p0 =	sgt.s32 s7, $0x0  }
0xa: {  	s7 =	simm.s32 @!p0 $0x0  }
0xb: {  	s31 =	sand.u32 $0xFFF8, s7  }
0xc: {  	s2 =	sshrl.u32 s31, $0x3  }
0xd: {  	s2 =	smul.u32 $0x147B, s2  }
0xe: {  	s9 =	rddreg [dreg:$0x0];
	s6 =	simm.s32 $0x1;
	s11 =	simm.s32 $0x3  }
0xf: {  	s13 =	simm.s32 $0x0;
	s12 =	simm.s32 $0x0;
	s8 =	sshrl.u32 s2, $0x11  }
0x10: {  	s4 =	sadd.s32 $0x1800, s9;
	s5 =	sadd.s32 $0x1400, s9;
	s10 =	smul.u32 $0xC8, s8  }
.Ltmp0:
0x11: {  	s9 =	sadd.s32 $0x94000, s9;
	s2 =	rddreg [dreg:$0x1];
	(pc) =	sbr.rel .LBB2_1-.Ltmp0, $4  }
0x12: {  	_ =	strace $0x8000004A;
	p0 =	sne.s32 s7, s10;
	s10 =	simm.s32 $0x1  }
0x13: {  	[sflag:s6] =	ssyncpa.u1 $0x0;
	s7 =	simm.s32 $0x2;
	s10 =	simm.s32 @!p0 $0x0  }
0x14: {  	[sflag:s7] =	ssyncpa.u1 $0x0;
	p0 =	por $0x0, $0x0;
	s8 =	sadd.s32 s8, s10  }
0x15: {  	vm0 =	vmmov $0xff;
	vm1 =	vcmask $0x3F20;
	[sflag:s11] =	ssyncpa.u1 $0x0;
	s11 =	smov.u32 s1;
	s10 =	sadd.s32 $0x1, s8  }
.LBB2_6:
0x16: {  	[hbm:s17] =	stream.linear.scatter [tilespmem:s14], [sflag:$0x3], $0x400, $0x38;
	[tilespmem:$0xC990] =	vst v63  }
.LBB2_7:
0x17: {  	s13 =	sadd.s32 $0xC8, s11  }
0x18: {  	s15 =	smov.u32 s1;
	p2 =	slt.s32 s13, s3  }
0x19: {  	s15 =	smov.u32 @p2 s13;
	p2 =	sne.s32 s12, s10  }
.Ltmp1:
0x1a: {  	p1 =	slt.u32 s12, $0x2;
	(pc) =	sbr.rel @!p2 .LBB2_8-.Ltmp1, $4  }
0x1b: {  	s14 =	simm.s32 @!p1 $0x3  }
0x1c: {  	s16 =	sadd.s32 $0x1, s12;
	_ =	swait.ge @!p1 [sflag:s14], $0x6400  }
0x1d: {  	p0 =	por !p0, !p0;
	s13 =	smov.u32 s11;
	[sflag:s14] =	ssyncset.done @!p1 $0x0  }
0x1e: {  	s12 =	smov.u32 s16;
	s11 =	smov.u32 s15;
	[sflag:s14] =	ssyncadd.s32 @!p1 $0xFFFF9C00  }
.LBB2_1:
0x1f: {  	p1 =	sge.u32 s12, s8  }
0x20: {  	s14 =	sxor.u32 @!p1 $0xFFFFFFFF, s12  }
0x21: {  	s14 =	sand.u32 @!p1 $0x1, s14  }
0x22: {  	s14 =	smul.u32 @!p1 $0x320, s14  }
0x23: {  	s31 =	sadd.s32 $0xFFFFFFFF, s12;
	s15 =	sshrl.u32 @!p1 s11, $0x3  }
0x24: {  	s16 =	sand.u32 @!p1 $0x7, s11;
	s15 =	sadd.s32 @!p1 s5, s15;
	s14 =	sshrl.u32 @!p1 s14, $0x2  }
0x25: {  	[tilespmem:s14], [sflag:$0x2] =	stream.linear.gather @!p1 [hbm4b:s15+s16], $0xC8, $0x38;
	[tilespmem:$0xC990] =	vst v63  }
0x26: {  	p1 =	sge.u32 s31, s8  }
.Ltmp2:
0x27: {  	_ = 	snop;
	(pc) =	sbr.rel @p1 .LBB2_7-.Ltmp2, $1  }
0x28: {  	_ =	sdelay $0x3  }
0x29: {  	s14 =	simm.s32 $0x1  }
0x2a: {  	s14 =	simm.s32 @!p0 $0x0  }
0x2b: {  	s15 =	smul.u32 $0x320, s14  }
0x2c: {  	_ =	swait.ge [sflag:s7], $0xC8  }
0x2d: {  	[sflag:s7] =	ssyncset.done $0x0;
	s16 =	sshrl.u32 s15, $0x2  }
0x2e: {  	[sflag:s7] =	ssyncadd.s32 $0xFFFFFF38;
	s15 =	sadd.s32 $0x0, s16  }
0x2f: {  	v0 =	vld.msk [tilespmem:s15+$0x0 ss:$0x1], $0xffff;
	_ =	sdelay $0x4  }
0x30: {  	vm2 =	vgt.s32 v0, $0x0  }
0x31: {  	v0 =	vnsel vm2, $0x0, v0  }
0x32: {  	v0 =	vmin.u32 v0, $0x927B  }
0x33: {  	v0 =	vshll.u32 v0, $0x4  }
0x34: {  	s14 =	smul.u32 $0x19000, s14  }
0x35: {  	s31 =	sand.u32 $0x1, s12  }
0x36: {  	s17 =	smul.u32 $0x320, s31;
	s14 =	sshrl.u32 s14, $0x2  }
0x37: {  	s19 =	smul.u32 $0x19000, s31;
	s14 =	sor.u32 $0x190, s14  }
0x38: {  	[tilespmem:s14], [sflag:$0x1] =	stream.indirect_vreg.gather [hbm:s4], $0x80, v0, vm0, $0x38;
	[tilespmem:$0xC990] =	vst v63  }
0x39: {  	s18 =	sshrl.u32 s17, $0x2;
	s20 =	sadd.s32 $0x10, s16;
	s15 =	sadd.s32 $0x400, s14  }
0x3a: {  	[tilespmem:s15], [sflag:$0x1] =	stream.indirect_vreg.gather [hbm:s4], $0x80, v0, vm1, $0x38;
	[tilespmem:$0xC990] =	vst v63  }
0x3b: {  	s17 =	sshrl.u32 s19, $0x2;
	s19 =	smov.u32 s14;
	v0 =	vld.msk [tilespmem:s20+$0x0 ss:$0x1], $0xffff;
	s20 =	simm.s32 $0x80  }
.LBB2_3:
0x3c: {  	p1 =	sne.s32 s20, $0x2C0;
	_ =	sdelay $0x4  }
0x3d: {  	vm2 =	vgt.s32 v0, $0x0  }
0x3e: {  	v0 =	vnsel vm2, $0x0, v0  }
0x3f: {  	v0 =	vmin.u32 v0, $0x927B  }
0x40: {  	v0 =	vshll.u32 v0, $0x4;
	_ =	sdelay $0x3  }
.Ltmp3:
0x41: {  	s21 =	sshra.s32 s20, $0x2;
	s19 =	sadd.s32 $0x800, s19;
	(pc) =	sbr.rel @p1 .LBB2_3-.Ltmp3, $4  }
0x42: {  	[tilespmem:s19], [sflag:$0x1] =	stream.indirect_vreg.gather [hbm:s4], $0x80, v0, vm0, $0x38;
	[tilespmem:$0xC990] =	vst v63  }
0x43: {  	s21 =	sadd.s32 s21, s16;
	s22 =	sadd.s32 $0x400, s19  }
0x44: {  	[tilespmem:s22], [sflag:$0x1] =	stream.indirect_vreg.gather [hbm:s4], $0x80, v0, vm1, $0x38;
	[tilespmem:$0xC990] =	vst v63  }
0x45: {  	s20 =	sadd.s32 $0x40, s20;
	v0 =	vld.msk [tilespmem:s21+$0x0 ss:$0x1], $0xffff  }
0x46: {  	_ =	sdelay $0x3  }
0x47: {  	vm2 =	vgt.s32 v0, $0x0  }
0x48: {  	v0 =	vnsel vm2, $0x0, v0  }
0x49: {  	v0 =	vmin.u32 v0, $0x927B  }
0x4a: {  	v0 =	vshll.u32 v0, $0x4;
	_ =	sdelay $0x3  }
0x4b: {  	s16 =	sadd.s32 $0x800, s19  }
0x4c: {  	[tilespmem:s16], [sflag:$0x1] =	stream.indirect_vreg.gather [hbm:s4], $0x80, v0, vm0, $0x38;
	[tilespmem:$0xC990] =	vst v63  }
0x4d: {  	s16 =	sadd.s32 $0x400, s16  }
0x4e: {  	[tilespmem:s16], [sflag:$0x1] =	stream.indirect_vreg.gather [hbm:s4], $0x80, v0, vm1, $0x38;
	[tilespmem:$0xC990] =	vst v63  }
0x4f: {  	v0 =	vld.msk [tilespmem:s18+$0xC0 ss:$0x1], $0xff;
	_ =	sdelay $0x4  }
0x50: {  	vm2 =	vgt.s32 v0, $0x0  }
0x51: {  	v0 =	vnsel vm2, $0x0, v0  }
0x52: {  	v0 =	vmin.u32 v0, $0x927B  }
0x53: {  	v0 =	vshll.u32 v0, $0x4;
	_ =	sdelay $0x3  }
0x54: {  	s31 =	sadd.s32 $0x6190, s17  }
0x55: {  	[tilespmem:s31], [sflag:$0x1] =	stream.indirect_vreg.gather [hbm:s4], $0x80, v0, vm0, $0x38;
	[tilespmem:$0xC990] =	vst v63  }
0x56: {  	s13 =	sshll.u32 s13, $0x4;
	_ =	swait.ge [sflag:s6], $0x6400  }
0x57: {  	s13 =	sadd.s32 s13, s9;
	[sflag:s6] =	ssyncset.done $0x0  }
0x58: {  	s17 =	sadd.s32 $0x0, s13;
	s16 =	simm.s32 $0x80;
	[sflag:s6] =	ssyncadd.s32 $0xFFFF9C00  }
.LBB2_5:
0x59: {  	[hbm:s17] =	stream.linear.scatter [tilespmem:s14], [sflag:$0x3], $0x400, $0x38;
	[tilespmem:$0xC990] =	vst v63  }
0x5a: {  	s17 =	smov.u32 s16;
	s14 =	smov.u32 s15;
	p1 =	sne.s32 s16, $0xC00  }
.Ltmp4:
0x5b: {  	s16 =	sadd.s32 $0x80, s16;
	(pc) =	sbr.rel @p1 .LBB2_5-.Ltmp4, $2  }
0x5c: {  	_ =	sdelay $0x2  }
0x5d: {  	s15 =	sadd.s32 $0x400, s15;
	s17 =	sadd.s32 s17, s13  }
.Ltmp5:
0x5e: {  	_ = 	snop;
	(pc) =	sbr.rel .LBB2_6-.Ltmp5, $1  }
0x5f: {  	_ =	sdelay $0x3  }
.LBB2_8:
0x60: {  	_ =	sfence.sel $0x180000  }
0x61: {  	s1 =	simm.s32 $0x2;
	[bflag:$0x0] =	sbarrier.arrive $0xFFFF  }
0x62: {  	s30 =	simm.s32 $0x3;
	[sflag:s1] =	ssyncpa.u1 $0x1  }
0x63: {  	s31 =	simm.s32 $0x1;
	[sflag:s30] =	ssyncpa.u1 $0x1  }
0x64: {  	[sflag:s31] =	ssyncpa.u1 $0x1  }
0x65: {  	p0 =	sne.s32 s0, $0x0;
	_ =	strace $0x9000004A  }
0x66: {  	s0 =	sadd.s32 @!p0 $0x100000, s2;
	[bflag:$0x2] =	sbarrier.arrive $0xFFFF  }
0x67: {  	[sflag:s0] =	ssyncadd.tile.s32 @!p0 $0x1;
	_ =	shalt  }
.Lfunc_end2:
_tile_overlayer_lowered:
.L_overlay_start_2:
0x68: {  	(tag) =	ssettag $0x2  }
0x69: {  	s0 =	rddreg [dreg:$0x0];
	s2 =	stileid.u32  }
0x6a: {  	s1 =	rddreg [dreg:$0x1];
	p0 =	sne.s32 s2, $0x0  }
0x6b: {  	s3 =	rddreg [dreg:$0x2];
	[bflag:$0x3] =	sbarrier.arrive $0xFFFF;
	s2 =	simm.s32 @!p0 $0x1C01  }
0x6c: {  	[timem:s3], [sflag:s2] =	dma.local @!p0 [hbm:s0], s1  }
0x6d: {  	s0 =	simm.s32 @!p0 $0x1  }
0x6e: {  	_ =	swait.ge @!p0 [sflag:s0], s1  }
0x6f: {  	s1 =	ssub.s32 @!p0 $0x0, s1;
	[sflag:s0] =	ssyncset.done @!p0 $0x0  }
0x70: {  	[sflag:s0] =	ssyncadd.s32 @!p0 s1  }
0x71: {  	[bflag:$0x3] =	sbarrier.arrive $0xFFFF  }
0x72: {  	_ =	shalt  }

// kernel: gather_offload_async_start
scs
__scs_entry_jumppad:
0x0: {  	(pc) =	sbr.rel $0x88, $3  }
0x1: {  	(tag) =	ssettag $0x0;
	lr =	simm.s32 $0x1  }
0x2: {  	[smem:$0x3F9A] =	sst lr;
	_ =	strace $0xD0000000  }
0x3: {  	_ = 	snop  }
0x4: {  	_ = 	snop  }
0x5: {  	_ = 	snop  }
0x6: {  	_ = 	snop  }
0x7: {  	_ = 	snop  }
__scs_overlays_trampoline_lowered:
0x8: {  	[smem:$0x3FA9] =	sst s0  }
0x9: {  	[smem:$0x3FAA] =	sst s1  }
0xa: {  	[smem:$0x3FAB] =	sst s2  }
0xb: {  	[smem:$0x3FAC] =	sst s3  }
0xc: {  	[smem:$0x3FAD] =	sst s4  }
0xd: {  	[smem:$0x3FAE] =	sst s5  }
0xe: {  	[smem:$0x3FAF] =	sst s6  }
0xf: {  	[smem:$0x3FB0] =	sst s7  }
0x10: {  	[smem:$0x3FB1] =	sst s8  }
0x11: {  	[smem:$0x3FB2] =	sst s9;
	s0 =	simm.s32 @!p0 $0x0  }
0x12: {  	s1 =	sld [smem:$0x3F98];
	s0 =	simm.s32 @p0 $0x1  }
0x13: {  	[smem:$0x3FB3] =	sst s0;
	s0 =	simm.s32 @!p1 $0x0  }
0x14: {  	s2 =	sld [smem:$0x3F97];
	s0 =	simm.s32 @p1 $0x1  }
0x15: {  	[smem:$0x3FB4] =	sst s0;
	s0 =	simm.s32 @!p2 $0x0  }
0x16: {  	s3 =	sld [smem:$0x3FDB];
	s0 =	simm.s32 @p2 $0x1  }
0x17: {  	s4 =	simm.s32 $0x1BF5;
	[smem:$0x3FB6] =	sst s0  }
0x18: {  	s0 =	sld [smem:$0x3F99];
	_ =	swait.ge [sflag:s4], $0x0  }
0x19: {  	s7 =	sld [smem:$0x3F9A]  }
0x1a: {  	s8 =	sadd.s32 $0xFFFFE003, lr  }
0x1b: {  	s9 =	sadd.s32 $0xFFFFFEF7, lr;
	s5 =	simm.s32 $0xFFFFFFFF;
	p2 =	slt.u32 s8, $0xFFFFF086  }
0x1c: {  	p1 =	slt.u32 s9, $0xF7A;
	s5 =	simm.s32 @!p2 $0x0  }
0x1d: {  	s5 =	simm.s32 @p1 $0x1;
	p0 =	seq.s32 s7, s2  }
0x1e: {  	s7 =	smul.u32 @!p0 $0xF7A, s2;
	p2 =	seq.s32 @!p0 s5, $0x0  }
0x1f: {  	s9 =	smul.u32 $0xF7A, s1;
	s8 =	simm.s32 @!p0 $0x1BF5;
	p2 =	por !p2, p0  }
0x20: {  	[sflag:s8] =	ssyncset.s32 @!p0 $0xFFFFF086;
	s6 =	sadd.s32 @!p0 s3, s7;
	s7 =	simm.s32 @!p0 $0x108  }
0x21: {  	s3 =	sadd.s32 s3, s9;
	s6 =	sadd.s32 @!p0 $0x88, s6;
	s7 =	simm.s32 @p2 $0x1082  }
0x22: {  	[simem:s7], [sflag:s8] =	dma.local @!p0 [hbm:s6], $0xF7A  }
0x23: {  	s9 =	sor.u32 $0xD0000000, s2;
	s6 =	simm.s32 $0x108;
	_ =	swait.ge @!p0 [sflag:s8], $0x0  }
0x24: {  	s3 =	sadd.s32 $0x88, s3;
	s6 =	simm.s32 @!p1 $0x1082;
	[sflag:s4] =	ssyncset.s32 $0xFFFFF086  }
0x25: {  	[simem:s6], [sflag:s4] =	dma.local [hbm:s3], $0xF7A  }
0x26: {  	[smem:$0x3F9A] =	sst s1;
	(tag) =	ssettag s2;
	_ =	strace s9  }
0x27: {  	s1 =	sld [smem:$0x3FAA]  }
0x28: {  	s2 =	sld [smem:$0x3FAB]  }
0x29: {  	s4 =	sld [smem:$0x3FAD]  }
0x2a: {  	p0 =	seq.s32 s5, $0x0;
	s5 =	sld [smem:$0x3FAE]  }
0x2b: {  	s6 =	sld [smem:$0x3FAF]  }
0x2c: {  	s7 =	sld [smem:$0x3FB0]  }
0x2d: {  	s3 =	simm.s32 $0x108;
	s8 =	sld [smem:$0x3FB1]  }
0x2e: {  	s3 =	simm.s32 @!p0 $0x1082;
	s9 =	sld [smem:$0x3FB2]  }
0x2f: {  	lr =	sadd.s32 s0, s3;
	s0 =	sld [smem:$0x3FA9]  }
0x30: {  	s3 =	sld [smem:$0x3FAC]  }
0x31: {  	[smem:$0x3FB5] =	sst s10  }
0x32: {  	s10 =	sld [smem:$0x3FB3];
	_ =	sdelay $0x3  }
0x33: {  	p0 =	seq.s32 s10, $0x1;
	s10 =	sld [smem:$0x3FB5];
	_ =	sdelay $0x3  }
0x34: {  	[smem:$0x3FB5] =	sst s10  }
0x35: {  	s10 =	sld [smem:$0x3FB4];
	_ =	sdelay $0x3  }
0x36: {  	p1 =	seq.s32 s10, $0x1;
	s10 =	sld [smem:$0x3FB5];
	_ =	sdelay $0x3  }
0x37: {  	[smem:$0x3FB5] =	sst s10  }
0x38: {  	s10 =	sld [smem:$0x3FB6]  }
0x39: {  	_ = 	snop;
	(pc) =	sbr.ind lr, $3  }
0x3a: {  	_ = 	snop  }
0x3b: {  	_ = 	snop  }
0x3c: {  	p2 =	seq.s32 s10, $0x1;
	s10 =	sld [smem:$0x3FB5]  }
0x3d: {  	_ =	shalt  }
0x3e: {  	_ =	shalt  }
0x3f: {  	_ =	shalt  }
0x40: {  	_ =	shalt  }
0x41: {  	_ =	shalt  }
0x42: {  	_ =	shalt  }
0x43: {  	_ =	shalt  }
0x44: {  	_ =	shalt  }
0x45: {  	_ =	shalt  }
0x46: {  	_ =	shalt  }
0x47: {  	_ =	shalt  }
0x48: {  	_ =	shalt  }
0x49: {  	_ =	shalt  }
0x4a: {  	_ =	shalt  }
0x4b: {  	_ =	shalt  }
0x4c: {  	_ =	shalt  }
0x4d: {  	_ =	shalt  }
0x4e: {  	_ =	shalt  }
0x4f: {  	_ =	shalt  }
0x50: {  	_ =	shalt  }
0x51: {  	_ =	shalt  }
0x52: {  	_ =	shalt  }
0x53: {  	_ =	shalt  }
0x54: {  	_ =	shalt  }
0x55: {  	_ =	shalt  }
0x56: {  	_ =	shalt  }
0x57: {  	_ =	shalt  }
0x58: {  	_ =	shalt  }
0x59: {  	_ =	shalt  }
0x5a: {  	_ =	shalt  }
0x5b: {  	_ =	shalt  }
0x5c: {  	_ =	shalt  }
0x5d: {  	_ =	shalt  }
0x5e: {  	_ =	shalt  }
0x5f: {  	_ =	shalt  }
0x60: {  	_ =	shalt  }
0x61: {  	_ =	shalt  }
0x62: {  	_ =	shalt  }
0x63: {  	_ =	shalt  }
0x64: {  	_ =	shalt  }
0x65: {  	_ =	shalt  }
0x66: {  	_ =	shalt  }
0x67: {  	_ =	shalt  }
0x68: {  	_ =	shalt  }
0x69: {  	_ =	shalt  }
0x6a: {  	_ =	shalt  }
0x6b: {  	_ =	shalt  }
0x6c: {  	_ =	shalt  }
0x6d: {  	_ =	shalt  }
0x6e: {  	_ =	shalt  }
0x6f: {  	_ =	shalt  }
0x70: {  	_ =	shalt  }
0x71: {  	_ =	shalt  }
0x72: {  	_ =	shalt  }
0x73: {  	_ =	shalt  }
0x74: {  	_ =	shalt  }
0x75: {  	_ =	shalt  }
0x76: {  	_ =	shalt  }
0x77: {  	_ =	shalt  }
0x78: {  	_ =	shalt  }
0x79: {  	_ =	shalt  }
0x7a: {  	_ =	shalt  }
0x7b: {  	_ =	shalt  }
0x7c: {  	_ =	shalt  }
0x7d: {  	_ =	shalt  }
0x7e: {  	_ =	shalt  }
0x7f: {  	_ =	shalt  }
0x80: {  	_ =	shalt  }
0x81: {  	_ =	shalt  }
0x82: {  	_ =	shalt  }
0x83: {  	_ =	shalt  }
0x84: {  	_ =	shalt  }
0x85: {  	_ =	shalt  }
0x86: {  	_ =	shalt  }
0x87: {  	_ =	shalt  }
.Lfunc_end0:
.L_simem_size_0:
called_computation_lowered:
.L_overlay_start_0:
0x88: {  	s0 =	sld [smem:$0x3FD9]  }
0x89: {  	s1 =	sld [smem:$0x3FFE];
	_ =	sdelay $0x3  }
0x8a: {  	s0 =	sadd.s32 s1, s0  }
0x8b: {  	[smem:$0x3FC1] =	sst s0  }
0x8c: {  	_ = 	snop  }
0x8d: {  	(tm) =	ssettm $0x1  }
0x8e: {  	s15 =	sld [smem:$0x3FFB];
	_ =	sdelay $0x3  }
0x8f: {  	_ =	strace s15  }
0x90: {  	s0 =	sld [smem:$0x3FFC];
	_ =	sdelay $0x3  }
0x91: {  	_ =	strace s0  }
0x92: {  	s0 =	sld [smem:$0x3FFD];
	_ =	sdelay $0x3  }
0x93: {  	_ =	strace s0  }
0x94: {  	_ =	strace $0x8FFFFFFF  }
0x95: {  	s16 =	sld [smem:$0x3FDB];
	_ =	sdelay $0x1  }
0x96: {  	s17 =	simm.s32 $_scs_section_size  }
0x97: {  	s2 =	simm.s32 $_size__tile_overlayer_lowered;
	s3 =	simm.s32 $_tile_overlayer_lowered  }
0x98: {  	s20 =	simm.s32 $0x1BFF;
	s19 =	sshll.u32 s3, $0x1;
	s0 =	sadd.s32 s17, s16  }
0x99: {  	s4 =	simm.s32 $0x0;
	s18 =	sshll.u32 s2, $0x1;
	s2 =	sadd.s32 s19, s0  }
0x9a: {  	[timem:s4], [sflag:s20] =	dma.local [hbm:s2], s18  }
0x9b: {  	_ =	swait.ge [sflag:s20], s18  }
0x9c: {  	s1 =	ssub.s32 $0x0, s18;
	[sflag:s20] =	ssyncset.done $0x0  }
0x9d: {  	[sflag:s20] =	ssyncadd.s32 s1;
	_ =	sdelay $0x1  }
0x9e: {  	s21 =	simm.s32 $0x1B8B  }
0x9f: {  	_ =	swait.ge [sflag:s21], $0x1  }
0xa0: {  	[sflag:s21] =	ssyncset.done $0x0  }
0xa1: {  	s23 =	simm.s32 $0x1B8E;
	s22 =	sld [smem:$0x3FFE];
	[sflag:s21] =	ssyncadd.s32 $0xFFFFFFFF  }
0xa2: {  	s24 =	simm.s32 $execute0_lowered;
	[smem:$0x3FD2] =	sst s23  }
0xa3: {  	s2 =	sshll.u32 s24, $0x1;
	_ =	strace $0x80000046;
	[dreg:$0x1] =	wrdreg $0xFFFFFFFF  }
0xa4: {  	s25 =	simm.s32 $_size_execute0_lowered;
	s0 =	sadd.s32 s0, s2;
	[dreg:$0x0] =	wrdreg $0x0  }
0xa5: {  	s2 =	sshll.u32 s25, $0x1;
	[dreg:$0x2] =	wrdreg s0  }
0xa6: {  	[dreg:$0x3] =	wrdreg s2  }
0xa7: {  	[dreg:$0x4] =	wrdreg $0xC0  }
0xa8: {  	_ =	task [dreg:s4], $0x5FFFF  }
0xa9: {  	[dreg:$0x1] =	wrdreg $0xFFFFFFFF  }
0xaa: {  	[dreg:$0x0] =	wrdreg $0x60  }
0xab: {  	[dreg:$0x2] =	wrdreg s22  }
0xac: {  	[dreg:$0x3] =	wrdreg $0x9  }
0xad: {  	_ =	task.clear_ibuf [dreg:s4], $0x4FFFF;
	_ =	strace $0x90000046  }
0xae: {  	s26 =	simm.s32 $0x9;
	_ =	strace $0x80000048  }
0xaf: {  	_ =	swait.ge [sflag:s26], $0x1  }
0xb0: {  	[sflag:s26] =	ssyncadd.s32 $0xFFFFFFFF  }
0xb1: {  	_ =	strace $0x90000048  }
0xb2: {  	_ =	sfence  }
0xb3: {  	s28 =	sld [smem:$0x0];
	_ =	sdelay $0x1  }
0xb4: {  	s29 =	srdreg.scid  }
0xb5: {  	s30 =	sshll.u32 s29, $0xD;
	s31 =	sshrl.u32 s29, $0x2  }
0xb6: {  	s1 =	sand.u32 $0x1, s29;
	s2 =	sand.u32 $0x4000, s30;
	s0 =	sadd.s32 s31, s28  }
0xb7: {  	s1 =	sor.u32 s2, s1;
	s0 =	sshll.u32 s0, $0x11  }
0xb8: {  	s0 =	sor.u32 s0, s1  }
0xb9: {  	s0 =	sadd.s32 $0x8F2B, s0  }
0xba: {  	[sflag:s0] =	ssyncadd.remote.s32 $0x1  }
0xbb: {  	_ =	sfence.sel $0xFFFF  }
0xbc: {  	[dreg:$0x0] =	wrdreg $0xFFFFFFFF;
	(pc) =	sbr.abs _section_cstart, $3  }
0xbd: {  	[dreg:$0x1] =	wrdreg $0xFFFFFFFF  }
0xbe: {  	_ =	task.clear_ibuf [dreg:s4], $0x2FFFF;
	_ =	strace $0x9FFFFFFF  }
0xbf: {  	(tm) =	ssettm $0x7FFFFFFF  }
tec
execute0_lowered:
.L_overlay_start_1:
0x0: {  	(tag) =	ssettag $0x1  }
0x1: {  	s0 =	stileid.u32  }
0x2: {  	s1 =	smin.u32 s0, $0xE  }
0x3: {  	s1 =	sadd.s32 s0, s1  }
0x4: {  	s2 =	simm.s32 $0x190;
	p0 =	slt.u32 s0, $0xE;
	s1 =	smul.u32 $0xC8, s1  }
0x5: {  	s2 =	simm.s32 @!p0 $0xC8  }
0x6: {  	s2 =	sadd.s32 s2, s1  }
0x7: {  	s3 =	smin.u32 s2, $0x1770  }
0x8: {  	s7 =	ssub.s32 s3, s1  }
0x9: {  	p0 =	sgt.s32 s7, $0x0  }
0xa: {  	s7 =	simm.s32 @!p0 $0x0  }
0xb: {  	s31 =	sand.u32 $0xFFF8, s7  }
0xc: {  	s2 =	sshrl.u32 s31, $0x3  }
0xd: {  	s2 =	smul.u32 $0x147B, s2  }
0xe: {  	s9 =	rddreg [dreg:$0x0];
	s6 =	simm.s32 $0x1;
	s11 =	simm.s32 $0x3  }
0xf: {  	s13 =	simm.s32 $0x0;
	s12 =	simm.s32 $0x0;
	s8 =	sshrl.u32 s2, $0x11  }
0x10: {  	s4 =	sadd.s32 $0x1800, s9;
	s5 =	sadd.s32 $0x1400, s9;
	s10 =	smul.u32 $0xC8, s8  }
.Ltmp0:
0x11: {  	s9 =	sadd.s32 $0x94000, s9;
	s2 =	rddreg [dreg:$0x1];
	(pc) =	sbr.rel .LBB2_1-.Ltmp0, $4  }
0x12: {  	_ =	strace $0x80000047;
	p0 =	sne.s32 s7, s10;
	s10 =	simm.s32 $0x1  }
0x13: {  	[sflag:s6] =	ssyncpa.u1 $0x0;
	s7 =	simm.s32 $0x2;
	s10 =	simm.s32 @!p0 $0x0  }
0x14: {  	[sflag:s7] =	ssyncpa.u1 $0x0;
	p0 =	por $0x0, $0x0;
	s8 =	sadd.s32 s8, s10  }
0x15: {  	vm0 =	vmmov $0xff;
	vm1 =	vcmask $0x3F20;
	[sflag:s11] =	ssyncpa.u1 $0x0;
	s11 =	smov.u32 s1;
	s10 =	sadd.s32 $0x1, s8  }
.LBB2_6:
0x16: {  	[hbm:s17] =	stream.linear.scatter [tilespmem:s14], [sflag:$0x3], $0x400, $0x38;
	[tilespmem:$0xC990] =	vst v63  }
.LBB2_7:
0x17: {  	s13 =	sadd.s32 $0xC8, s11  }
0x18: {  	s15 =	smov.u32 s1;
	p2 =	slt.s32 s13, s3  }
0x19: {  	s15 =	smov.u32 @p2 s13;
	p2 =	sne.s32 s12, s10  }
.Ltmp1:
0x1a: {  	p1 =	slt.u32 s12, $0x2;
	(pc) =	sbr.rel @!p2 .LBB2_8-.Ltmp1, $4  }
0x1b: {  	s14 =	simm.s32 @!p1 $0x3  }
0x1c: {  	s16 =	sadd.s32 $0x1, s12;
	_ =	swait.ge @!p1 [sflag:s14], $0x6400  }
0x1d: {  	p0 =	por !p0, !p0;
	s13 =	smov.u32 s11;
	[sflag:s14] =	ssyncset.done @!p1 $0x0  }
0x1e: {  	s12 =	smov.u32 s16;
	s11 =	smov.u32 s15;
	[sflag:s14] =	ssyncadd.s32 @!p1 $0xFFFF9C00  }
.LBB2_1:
0x1f: {  	p1 =	sge.u32 s12, s8  }
0x20: {  	s14 =	sxor.u32 @!p1 $0xFFFFFFFF, s12  }
0x21: {  	s14 =	sand.u32 @!p1 $0x1, s14  }
0x22: {  	s14 =	smul.u32 @!p1 $0x320, s14  }
0x23: {  	s31 =	sadd.s32 $0xFFFFFFFF, s12;
	s15 =	sshrl.u32 @!p1 s11, $0x3  }
0x24: {  	s16 =	sand.u32 @!p1 $0x7, s11;
	s15 =	sadd.s32 @!p1 s5, s15;
	s14 =	sshrl.u32 @!p1 s14, $0x2  }
0x25: {  	[tilespmem:s14], [sflag:$0x2] =	stream.linear.gather @!p1 [hbm4b:s15+s16], $0xC8, $0x38;
	[tilespmem:$0xC990] =	vst v63  }
0x26: {  	p1 =	sge.u32 s31, s8  }
.Ltmp2:
0x27: {  	_ = 	snop;
	(pc) =	sbr.rel @p1 .LBB2_7-.Ltmp2, $1  }
0x28: {  	_ =	sdelay $0x3  }
0x29: {  	s14 =	simm.s32 $0x1  }
0x2a: {  	s14 =	simm.s32 @!p0 $0x0  }
0x2b: {  	s15 =	smul.u32 $0x320, s14  }
0x2c: {  	_ =	swait.ge [sflag:s7], $0xC8  }
0x2d: {  	[sflag:s7] =	ssyncset.done $0x0;
	s16 =	sshrl.u32 s15, $0x2  }
0x2e: {  	[sflag:s7] =	ssyncadd.s32 $0xFFFFFF38;
	s15 =	sadd.s32 $0x0, s16  }
0x2f: {  	v0 =	vld.msk [tilespmem:s15+$0x0 ss:$0x1], $0xffff;
	_ =	sdelay $0x4  }
0x30: {  	vm2 =	vgt.s32 v0, $0x0  }
0x31: {  	v0 =	vnsel vm2, $0x0, v0  }
0x32: {  	v0 =	vmin.u32 v0, $0x927B  }
0x33: {  	v0 =	vshll.u32 v0, $0x4  }
0x34: {  	s14 =	smul.u32 $0x19000, s14  }
0x35: {  	s31 =	sand.u32 $0x1, s12  }
0x36: {  	s17 =	smul.u32 $0x320, s31;
	s14 =	sshrl.u32 s14, $0x2  }
0x37: {  	s19 =	smul.u32 $0x19000, s31;
	s14 =	sor.u32 $0x190, s14  }
0x38: {  	[tilespmem:s14], [sflag:$0x1] =	stream.indirect_vreg.gather [hbm:s4], $0x80, v0, vm0, $0x38;
	[tilespmem:$0xC990] =	vst v63  }
0x39: {  	s18 =	sshrl.u32 s17, $0x2;
	s20 =	sadd.s32 $0x10, s16;
	s15 =	sadd.s32 $0x400, s14  }
0x3a: {  	[tilespmem:s15], [sflag:$0x1] =	stream.indirect_vreg.gather [hbm:s4], $0x80, v0, vm1, $0x38;
	[tilespmem:$0xC990] =	vst v63  }
0x3b: {  	s17 =	sshrl.u32 s19, $0x2;
	s19 =	smov.u32 s14;
	v0 =	vld.msk [tilespmem:s20+$0x0 ss:$0x1], $0xffff;
	s20 =	simm.s32 $0x80  }
.LBB2_3:
0x3c: {  	p1 =	sne.s32 s20, $0x2C0;
	_ =	sdelay $0x4  }
0x3d: {  	vm2 =	vgt.s32 v0, $0x0  }
0x3e: {  	v0 =	vnsel vm2, $0x0, v0  }
0x3f: {  	v0 =	vmin.u32 v0, $0x927B  }
0x40: {  	v0 =	vshll.u32 v0, $0x4;
	_ =	sdelay $0x3  }
.Ltmp3:
0x41: {  	s21 =	sshra.s32 s20, $0x2;
	s19 =	sadd.s32 $0x800, s19;
	(pc) =	sbr.rel @p1 .LBB2_3-.Ltmp3, $4  }
0x42: {  	[tilespmem:s19], [sflag:$0x1] =	stream.indirect_vreg.gather [hbm:s4], $0x80, v0, vm0, $0x38;
	[tilespmem:$0xC990] =	vst v63  }
0x43: {  	s21 =	sadd.s32 s21, s16;
	s22 =	sadd.s32 $0x400, s19  }
0x44: {  	[tilespmem:s22], [sflag:$0x1] =	stream.indirect_vreg.gather [hbm:s4], $0x80, v0, vm1, $0x38;
	[tilespmem:$0xC990] =	vst v63  }
0x45: {  	s20 =	sadd.s32 $0x40, s20;
	v0 =	vld.msk [tilespmem:s21+$0x0 ss:$0x1], $0xffff  }
0x46: {  	_ =	sdelay $0x3  }
0x47: {  	vm2 =	vgt.s32 v0, $0x0  }
0x48: {  	v0 =	vnsel vm2, $0x0, v0  }
0x49: {  	v0 =	vmin.u32 v0, $0x927B  }
0x4a: {  	v0 =	vshll.u32 v0, $0x4;
	_ =	sdelay $0x3  }
0x4b: {  	s16 =	sadd.s32 $0x800, s19  }
0x4c: {  	[tilespmem:s16], [sflag:$0x1] =	stream.indirect_vreg.gather [hbm:s4], $0x80, v0, vm0, $0x38;
	[tilespmem:$0xC990] =	vst v63  }
0x4d: {  	s16 =	sadd.s32 $0x400, s16  }
0x4e: {  	[tilespmem:s16], [sflag:$0x1] =	stream.indirect_vreg.gather [hbm:s4], $0x80, v0, vm1, $0x38;
	[tilespmem:$0xC990] =	vst v63  }
0x4f: {  	v0 =	vld.msk [tilespmem:s18+$0xC0 ss:$0x1], $0xff;
	_ =	sdelay $0x4  }
0x50: {  	vm2 =	vgt.s32 v0, $0x0  }
0x51: {  	v0 =	vnsel vm2, $0x0, v0  }
0x52: {  	v0 =	vmin.u32 v0, $0x927B  }
0x53: {  	v0 =	vshll.u32 v0, $0x4;
	_ =	sdelay $0x3  }
0x54: {  	s31 =	sadd.s32 $0x6190, s17  }
0x55: {  	[tilespmem:s31], [sflag:$0x1] =	stream.indirect_vreg.gather [hbm:s4], $0x80, v0, vm0, $0x38;
	[tilespmem:$0xC990] =	vst v63  }
0x56: {  	s13 =	sshll.u32 s13, $0x4;
	_ =	swait.ge [sflag:s6], $0x6400  }
0x57: {  	s13 =	sadd.s32 s13, s9;
	[sflag:s6] =	ssyncset.done $0x0  }
0x58: {  	s17 =	sadd.s32 $0x0, s13;
	s16 =	simm.s32 $0x80;
	[sflag:s6] =	ssyncadd.s32 $0xFFFF9C00  }
.LBB2_5:
0x59: {  	[hbm:s17] =	stream.linear.scatter [tilespmem:s14], [sflag:$0x3], $0x400, $0x38;
	[tilespmem:$0xC990] =	vst v63  }
0x5a: {  	s17 =	smov.u32 s16;
	s14 =	smov.u32 s15;
	p1 =	sne.s32 s16, $0xC00  }
.Ltmp4:
0x5b: {  	s16 =	sadd.s32 $0x80, s16;
	(pc) =	sbr.rel @p1 .LBB2_5-.Ltmp4, $2  }
0x5c: {  	_ =	sdelay $0x2  }
0x5d: {  	s15 =	sadd.s32 $0x400, s15;
	s17 =	sadd.s32 s17, s13  }
.Ltmp5:
0x5e: {  	_ = 	snop;
	(pc) =	sbr.rel .LBB2_6-.Ltmp5, $1  }
0x5f: {  	_ =	sdelay $0x3  }
.LBB2_8:
0x60: {  	_ =	sfence.sel $0x180000  }
0x61: {  	s1 =	simm.s32 $0x2;
	[bflag:$0x0] =	sbarrier.arrive $0xFFFF  }
0x62: {  	s30 =	simm.s32 $0x3;
	[sflag:s1] =	ssyncpa.u1 $0x1  }
0x63: {  	s31 =	simm.s32 $0x1;
	[sflag:s30] =	ssyncpa.u1 $0x1  }
0x64: {  	[sflag:s31] =	ssyncpa.u1 $0x1  }
0x65: {  	p0 =	sne.s32 s0, $0x0;
	_ =	strace $0x90000047  }
0x66: {  	s0 =	sadd.s32 @!p0 $0x100000, s2;
	[bflag:$0x2] =	sbarrier.arrive $0xFFFF  }
0x67: {  	[sflag:s0] =	ssyncadd.tile.s32 @!p0 $0x1;
	_ =	shalt  }
.Lfunc_end2:
_tile_overlayer_lowered:
.L_overlay_start_2:
0x68: {  	(tag) =	ssettag $0x2  }
0x69: {  	s0 =	rddreg [dreg:$0x0];
	s2 =	stileid.u32  }
0x6a: {  	s1 =	rddreg [dreg:$0x1];
	p0 =	sne.s32 s2, $0x0  }
0x6b: {  	s3 =	rddreg [dreg:$0x2];
	[bflag:$0x3] =	sbarrier.arrive $0xFFFF;
	s2 =	simm.s32 @!p0 $0x1C01  }
0x6c: {  	[timem:s3], [sflag:s2] =	dma.local @!p0 [hbm:s0], s1  }
0x6d: {  	s0 =	simm.s32 @!p0 $0x1  }
0x6e: {  	_ =	swait.ge @!p0 [sflag:s0], s1  }
0x6f: {  	s1 =	ssub.s32 @!p0 $0x0, s1;
	[sflag:s0] =	ssyncset.done @!p0 $0x0  }
0x70: {  	[sflag:s0] =	ssyncadd.s32 @!p0 s1  }
0x71: {  	[bflag:$0x3] =	sbarrier.arrive $0xFFFF  }
0x72: {  	_ =	shalt  }

</sc_bundles>
